<compile_context>
chip_gen: v7x
topology: tpu7x:2x2x1
jax: 0.10.2.dev20260603
libtpu: 0.0.44.dev20260713+nightly
codegen_flags: <defaults>
</compile_context>

<pallas_src>
import functools

import jax
import jax.numpy as jnp
from jax import lax
from jax.experimental import pallas as pl
from jax.experimental.pallas import tpu as pltpu
from jax.experimental.pallas import tpu_sc as plsc

_M = 512


def _silu(u):
    return u / (1.0 + jnp.exp(-u))


def _sigmoid(u):
    return 1.0 / (1.0 + jnp.exp(-u))


def _dot_nt(a, b):
    return lax.dot_general(a, b, (((1,), (1,)), ((), ())),
                           preferred_element_type=jnp.float32)


def _dot_nn(a, b):
    return lax.dot_general(a, b, (((1,), (0,)), ((), ())),
                           preferred_element_type=jnp.float32)



def _router_body(x_ref, gw_ref, d0_ref, d1_ref, w0_ref, w1_ref, be_ref,
                 *, m_blk, nb):
    logits = _dot_nt(x_ref[...], gw_ref[...])
    T, E = logits.shape
    lane = lax.broadcasted_iota(jnp.int32, (T, E), 1)
    m1 = jnp.max(logits, axis=1, keepdims=True)
    i1 = jnp.min(jnp.where(logits == m1, lane, E), axis=1, keepdims=True)
    masked = jnp.where(lane == i1, -jnp.inf, logits)
    m2 = jnp.max(masked, axis=1, keepdims=True)
    i2 = jnp.min(jnp.where(masked == m2, lane, E), axis=1, keepdims=True)
    WL = w0_ref.shape[1]
    wa = 1.0 / (1.0 + jnp.exp(m2 - m1))
    zeros_wl = jnp.zeros((T, WL), jnp.float32)
    w0_ref[...] = wa + zeros_wl
    w1_ref[...] = (1.0 - wa) + zeros_wl

    O1 = (lane == i1).astype(jnp.float32)
    O2 = (lane == i2).astype(jnp.float32)

    C = 512
    r_io = lax.broadcasted_iota(jnp.int32, (C, C), 0)
    c_io = lax.broadcasted_iota(jnp.int32, (C, C), 1)
    LT = (r_io >= c_io).astype(jnp.float32)
    n_chunk_half = T // C
    counts = jnp.zeros((1, E), jnp.float32)
    ranks = []
    for c in range(2 * n_chunk_half):
        if c < n_chunk_half:
            Oc = O1[c * C:(c + 1) * C, :]
        else:
            Oc = O2[(c - n_chunk_half) * C:(c - n_chunk_half + 1) * C, :]
        pref = _dot_nn(LT, Oc)
        ranks.append(jnp.sum((pref + counts) * Oc, axis=1, keepdims=True)
                     - 1.0)
        counts = counts + jnp.sum(Oc, axis=0, keepdims=True)

    cnt_i = counts.astype(jnp.int32)
    pc = ((cnt_i + m_blk - 1) // m_blk) * m_blk
    pc_f = pc.astype(jnp.float32)
    re_io = lax.broadcasted_iota(jnp.int32, (E, E), 0)
    ce_io = lax.broadcasted_iota(jnp.int32, (E, E), 1)
    U = (re_io < ce_io).astype(jnp.float32)
    off = _dot_nn(pc_f, U)

    off1 = jnp.sum(off * O1, axis=1, keepdims=True)
    off2 = jnp.sum(off * O2, axis=1, keepdims=True)
    rank = jnp.concatenate(ranks, axis=0)
    d0_ref[...] = (off1 + rank[:T, :]).astype(jnp.int32)
    d1_ref[...] = (off2 + rank[T:, :]).astype(jnp.int32)

    off_end = off + pc_f
    eyeE = (re_io == ce_io).astype(jnp.float32)
    oe_col = _dot_nt(eyeE, off_end)
    brow = (lax.broadcasted_iota(jnp.int32, (1, nb), 1) * m_blk
            ).astype(jnp.float32)
    cmp = (brow >= oe_col).astype(jnp.int32)
    be_ref[...] = jnp.minimum(jnp.sum(cmp, axis=0, keepdims=True), E - 1)


def _router(x, gate_w, m_blk, nb):
    T, D = x.shape
    E = gate_w.shape[0]
    body = functools.partial(_router_body, m_blk=m_blk, nb=nb)
    return pl.pallas_call(
        body,
        out_shape=[
            jax.ShapeDtypeStruct((T, 1), jnp.int32),
            jax.ShapeDtypeStruct((T, 1), jnp.int32),
            jax.ShapeDtypeStruct((T, 128), jnp.float32),
            jax.ShapeDtypeStruct((T, 128), jnp.float32),
            jax.ShapeDtypeStruct((1, nb), jnp.int32),
        ],
    )(x, gate_w)



def _sc_dispatch(x, d0, d1, w0, w1, s_rows):
    T, D = x.shape
    NW = 32
    TPW = T // NW
    mesh = plsc.VectorSubcoreMesh(core_axis_name="c", subcore_axis_name="s")

    @functools.partial(
        pl.kernel, mesh=mesh,
        out_type=[jax.ShapeDtypeStruct((s_rows, D), jnp.float32),
                  jax.ShapeDtypeStruct((s_rows, 128), jnp.float32)],
        scratch_types=[
            pltpu.VMEM((TPW, D), jnp.float32),
            pltpu.VMEM((TPW, 128), jnp.float32),
            pltpu.VMEM((TPW, 128), jnp.float32),
            pltpu.VMEM((TPW,), jnp.int32),
            pltpu.VMEM((TPW,), jnp.int32),
            pltpu.SemaphoreType.DMA,
        ])
    def disp(x_hbm, d0_hbm, d1_hbm, w0_hbm, w1_hbm, xs_hbm, wt_hbm,
             x_v, w0_v, w1_v, i0_v, i1_v, sem):
        wid = lax.axis_index("s") * 2 + lax.axis_index("c")
        base = wid * TPW
        pltpu.sync_copy(d0_hbm.at[pl.ds(base, TPW)], i0_v)
        pltpu.sync_copy(d1_hbm.at[pl.ds(base, TPW)], i1_v)
        pltpu.sync_copy(x_hbm.at[pl.ds(base, TPW)], x_v)
        pltpu.sync_copy(w0_hbm.at[pl.ds(base, TPW)], w0_v)
        pltpu.sync_copy(w1_hbm.at[pl.ds(base, TPW)], w1_v)
        c0 = pltpu.async_copy(x_v, xs_hbm.at[i0_v], sem)
        c1 = pltpu.async_copy(x_v, xs_hbm.at[i1_v], sem)
        c2 = pltpu.async_copy(w0_v, wt_hbm.at[i0_v], sem)
        c3 = pltpu.async_copy(w1_v, wt_hbm.at[i1_v], sem)
        c0.wait()
        c1.wait()
        c2.wait()
        c3.wait()

    return disp(x, d0, d1, w0, w1)



def _gffn_body(be_sref, xs_ref, wg_ref, wu_ref, wd_ref, wt_ref, ys_ref):
    xb = xs_ref[...].astype(jnp.bfloat16)
    g = _dot_nt(xb, wg_ref[0].astype(jnp.bfloat16))
    u = _dot_nt(xb, wu_ref[0].astype(jnp.bfloat16))
    h = ((g * _silu(u)) * wt_ref[:, :1]).astype(jnp.bfloat16)
    ys_ref[...] = _dot_nt(h, wd_ref[0].astype(jnp.bfloat16))


def _gffn(be, xs, Wg, Wu, Wd, wt2):
    S, D = xs.shape
    E, F, _ = Wg.shape
    nb = S // _M
    grid_spec = pltpu.PrefetchScalarGridSpec(
        num_scalar_prefetch=1,
        grid=(nb,),
        in_specs=[
            pl.BlockSpec((_M, D), lambda b, be_ref: (b, 0)),
            pl.BlockSpec((1, F, D), lambda b, be_ref: (be_ref[b], 0, 0)),
            pl.BlockSpec((1, F, D), lambda b, be_ref: (be_ref[b], 0, 0)),
            pl.BlockSpec((1, D, F), lambda b, be_ref: (be_ref[b], 0, 0)),
            pl.BlockSpec((_M, 128), lambda b, be_ref: (b, 0)),
        ],
        out_specs=pl.BlockSpec((_M, D), lambda b, be_ref: (b, 0)),
    )
    return pl.pallas_call(
        _gffn_body,
        grid_spec=grid_spec,
        out_shape=jax.ShapeDtypeStruct((S, D), jnp.float32),
    )(be, xs, Wg, Wu, Wd, wt2)



def _sc_gather(ys, d0, d1):
    S, D = ys.shape
    T = d0.shape[0]
    NW = 32
    TPW = T // NW
    mesh = plsc.VectorSubcoreMesh(core_axis_name="c", subcore_axis_name="s")

    @functools.partial(
        pl.kernel, mesh=mesh,
        out_type=[jax.ShapeDtypeStruct((T, D), jnp.float32),
                  jax.ShapeDtypeStruct((T, D), jnp.float32)],
        scratch_types=[
            pltpu.VMEM((TPW, D), jnp.float32),
            pltpu.VMEM((TPW, D), jnp.float32),
            pltpu.VMEM((TPW,), jnp.int32),
            pltpu.VMEM((TPW,), jnp.int32),
            pltpu.SemaphoreType.DMA,
        ])
    def gath(ys_hbm, d0_hbm, d1_hbm, y0_hbm, y1_hbm, y0_v, y1_v,
             i0_v, i1_v, sem):
        wid = lax.axis_index("s") * 2 + lax.axis_index("c")
        base = wid * TPW
        pltpu.sync_copy(d0_hbm.at[pl.ds(base, TPW)], i0_v)
        pltpu.sync_copy(d1_hbm.at[pl.ds(base, TPW)], i1_v)
        c0 = pltpu.async_copy(ys_hbm.at[i0_v], y0_v, sem)
        c1 = pltpu.async_copy(ys_hbm.at[i1_v], y1_v, sem)
        c0.wait()
        c1.wait()
        pltpu.sync_copy(y0_v, y0_hbm.at[pl.ds(base, TPW)])
        pltpu.sync_copy(y1_v, y1_hbm.at[pl.ds(base, TPW)])

    return gath(ys, d0, d1)



def _sh_body(x_ref, swg_ref, swu_ref, swd_ref, sg_ref, out_ref,
             swgb_ref, swub_ref, swdb_ref):
    tb = pl.program_id(0)

    @pl.when(tb == 0)
    def _():
        swgb_ref[...] = swg_ref[...].astype(jnp.bfloat16)
        swub_ref[...] = swu_ref[...].astype(jnp.bfloat16)
        swdb_ref[...] = swd_ref[...].astype(jnp.bfloat16)

    xs = x_ref[...]
    xb = xs.astype(jnp.bfloat16)
    g = _dot_nt(xb, swgb_ref[...])
    u = _dot_nt(xb, swub_ref[...])
    h = (g * _silu(u)).astype(jnp.bfloat16)
    se = _dot_nt(h, swdb_ref[...])
    gate = _sigmoid(_dot_nt(xs, sg_ref[...]))
    out_ref[...] = se * gate


def _shared(x, sWg, sWu, sWd, s_gate):
    T, D = x.shape
    S = sWg.shape[0]
    TB = min(512, T)
    ntb = T // TB
    return pl.pallas_call(
        _sh_body,
        grid=(ntb,),
        in_specs=[
            pl.BlockSpec((TB, D), lambda tb: (tb, 0)),
            pl.BlockSpec((S, D), lambda tb: (0, 0)),
            pl.BlockSpec((S, D), lambda tb: (0, 0)),
            pl.BlockSpec((D, S), lambda tb: (0, 0)),
            pl.BlockSpec((1, D), lambda tb: (0, 0)),
        ],
        out_specs=pl.BlockSpec((TB, D), lambda tb: (tb, 0)),
        out_shape=jax.ShapeDtypeStruct((T, D), jnp.float32),
        scratch_shapes=[pltpu.VMEM((S, D), jnp.bfloat16),
                        pltpu.VMEM((S, D), jnp.bfloat16),
                        pltpu.VMEM((D, S), jnp.bfloat16)],
    )(x, sWg, sWu, sWd, s_gate)



def _comb_body(sh_ref, y0_ref, y1_ref, out_ref):
    out_ref[...] = sh_ref[...] + y0_ref[...] + y1_ref[...]


def _combine(sh, y0, y1):
    T, D = y0.shape
    TB = min(1024, T)
    ntb = T // TB
    return pl.pallas_call(
        _comb_body,
        grid=(ntb,),
        in_specs=[
            pl.BlockSpec((TB, D), lambda tb: (tb, 0)),
            pl.BlockSpec((TB, D), lambda tb: (tb, 0)),
            pl.BlockSpec((TB, D), lambda tb: (tb, 0)),
        ],
        out_specs=pl.BlockSpec((TB, D), lambda tb: (tb, 0)),
        out_shape=jax.ShapeDtypeStruct((T, D), jnp.float32),
    )(sh, y0, y1)


def kernel(hidden_states, gate_w, Wg, Wu, Wd, sWg, sWu, sWd, s_gate):
    x = hidden_states
    T, D = x.shape
    E = gate_w.shape[0]
    s_rows = 2 * T + E * _M
    nb = s_rows // _M
    d0, d1, w0, w1, be = _router(x, gate_w, _M, nb)
    d0f, d1f = d0.reshape(T), d1.reshape(T)
    xs, wt = _sc_dispatch(x, d0f, d1f, w0, w1, s_rows)
    sh = _shared(x, sWg, sWu, sWd, s_gate)
    ys = _gffn(be.reshape(nb), xs, Wg, Wu, Wd, wt)
    y0, y1 = _sc_gather(ys, d0f, d1f)
    return _combine(sh, y0, y1)

# --- scband reference (transcript-rebuilt; emitter-appended) ---
"""Pipeline reference for scband-paper-compliant-mo-e-13761075216635 (READ-ONLY COPY).

The authoritative reference and input builder live on the scoring server;
editing this copy changes nothing except your own understanding.
"""

import jax, jax.numpy as jnp
import numpy as np

T = 2048          # batch*seq tokens
D_MODEL = 768
N_EXP = 8
TOP_K = 2
D_FF = 1024       # expert_intermediate_size
S_FF = 2048       # shared_expert_intermediate_size


def setup_inputs(seed: int = 0) -> dict:
    key = jax.random.key(seed)
    ks = jax.random.split(key, 10)
    x = jax.random.normal(ks[0], (T, D_MODEL), dtype=jnp.float32)
    # router gate (xavier-ish small init, gain=0.01 like the torch module)
    gate_w = jax.random.normal(ks[1], (N_EXP, D_MODEL), dtype=jnp.float32) * 0.01
    # routed experts: torch Linear weight layout [out_features, in_features]
    Wg = jax.random.normal(ks[2], (N_EXP, D_FF, D_MODEL), dtype=jnp.float32) * 0.02
    Wu = jax.random.normal(ks[3], (N_EXP, D_FF, D_MODEL), dtype=jnp.float32) * 0.02
    Wd = jax.random.normal(ks[4], (N_EXP, D_MODEL, D_FF), dtype=jnp.float32) * 0.02
    # gated shared expert (n_shared_experts=1, swiglu)
    sWg = jax.random.normal(ks[5], (S_FF, D_MODEL), dtype=jnp.float32) * 0.02
    sWu = jax.random.normal(ks[6], (S_FF, D_MODEL), dtype=jnp.float32) * 0.02
    sWd = jax.random.normal(ks[7], (D_MODEL, S_FF), dtype=jnp.float32) * 0.02
    s_gate = jax.random.normal(ks[8], (1, D_MODEL), dtype=jnp.float32) * 0.02
    return {"hidden_states": x, "gate_w": gate_w, "Wg": Wg, "Wu": Wu, "Wd": Wd,
            "sWg": sWg, "sWu": sWu, "sWd": sWd, "s_gate": s_gate}


def reference(hidden_states, gate_w, Wg, Wu, Wd, sWg, sWu, sWd, s_gate):
    x = hidden_states
    # --- AuxLossFreeRouter ---
    # Note: with freshly-initialized (zero) expert_loads buffers the hot/cold
    # adjustment adds the same constant to every logit, which is a softmax
    # no-op, so eval-path routing is mathematically identical.
    logits = x @ gate_w.T                      # [T, E]
    probs = jax.nn.softmax(logits, axis=-1)
    w, idx = jax.lax.top_k(probs, TOP_K)       # [T, k]
    w = w / jnp.sum(w, axis=-1, keepdims=True)
    # --- routed experts (SwiGLU FFN per expert, gather/scatter dispatch) ---
    out = jnp.zeros_like(x)
    for e in range(N_EXP):
        mask = (idx == e)                      # [T, k]
        tok_w = jnp.sum(w * mask.astype(w.dtype), axis=-1)  # [T]
        y = (x @ Wg[e].T) * jax.nn.silu(x @ Wu[e].T)
        y = y @ Wd[e].T
        out = out + tok_w[:, None] * y
    # --- gated shared expert (sigmoid gate, swiglu) ---
    gw = jax.nn.sigmoid(x @ s_gate.T)          # [T, 1]
    se = ((x @ sWg.T) * jax.nn.silu(x @ sWu.T)) @ sWd.T
    out = out + se * gw
    return out

if __name__ == "__main__":
    import jax
    _d = setup_inputs()
    print(jax.jit(kernel)(*tuple(_d.values())))

</pallas_src>

<mosaic_0001>
#map = affine_map<(d0, d1) -> (0, 0)>
#map1 = affine_map<(d0, d1) -> (0)>
module attributes {stable_mosaic.version = 14 : i64} {
  func.func @gath(%arg0: i32, %arg1: i32, %arg2: memref<8192x768xf32, #tpu.memory_space<hbm>>, %arg3: memref<2048xi32, #tpu.memory_space<hbm>>, %arg4: memref<2048xi32, #tpu.memory_space<hbm>>, %arg5: memref<2048x768xf32, #tpu.memory_space<hbm>>, %arg6: memref<2048x768xf32, #tpu.memory_space<hbm>>, %arg7: memref<64x768xf32, #tpu.memory_space<vmem>>, %arg8: memref<64x768xf32, #tpu.memory_space<vmem>>, %arg9: memref<64xi32, #tpu.memory_space<vmem>>, %arg10: memref<64xi32, #tpu.memory_space<vmem>>, %arg11: memref<!tpu.dma_semaphore, #tpu.memory_space<semaphore_mem>>) attributes {dimension_semantics = [#tpu.dimension_semantics<core_parallel>, #tpu.dimension_semantics<subcore_parallel>], iteration_bounds = array<i64: 2, 16>, scalar_prefetch = 0 : i64, scratch_operands = 5 : i64, tpu.core_type = #tpu.core_type<sc_vector_subcore>, window_params = [{transform_indices = #map}, {transform_indices = #map1}, {transform_indices = #map1}, {transform_indices = #map}, {transform_indices = #map}]} {
    %mul3A = arith.constant 2 : i32
    %mul3A_0 = arith.muli %arg1, %mul3A : i32
    %add3A = arith.addi %mul3A_0, %arg0 : i32
    %mul3A_1 = arith.constant 64 : i32
    %mul3A_2 = arith.muli %add3A, %mul3A_1 : i32
    "tpu.region"() ({
      %run_scoped3A = tpu.sem_alloc : memref<!tpu.dma_semaphore, #tpu.memory_space<semaphore_mem>>
      %dma_start3A_13 = tpu.memref_slice %arg3[%mul3A_2] : memref<2048xi32, #tpu.memory_space<hbm>> -> memref<64xi32, #tpu.memory_space<hbm>>
      %dma_start3A_14 = tpu.memref_slice %arg3[%mul3A_2] : memref<2048xi32, #tpu.memory_space<hbm>> -> memref<64xi32, #tpu.memory_space<hbm>>
      tpu.enqueue_dma source(%dma_start3A_14 : memref<64xi32, #tpu.memory_space<hbm>>) target(%arg9 : memref<64xi32, #tpu.memory_space<vmem>>) target_semaphore(%run_scoped3A : memref<!tpu.dma_semaphore, #tpu.memory_space<semaphore_mem>>)
      %dma_wait3A_15 = tpu.memref_slice %arg3[%mul3A_2] : memref<2048xi32, #tpu.memory_space<hbm>> -> memref<64xi32, #tpu.memory_space<hbm>>
      %dma_wait3A_16 = tpu.memref_slice %arg3[%mul3A_2] : memref<2048xi32, #tpu.memory_space<hbm>> -> memref<64xi32, #tpu.memory_space<hbm>>
      tpu.wait_dma2 semaphore(%run_scoped3A : memref<!tpu.dma_semaphore, #tpu.memory_space<semaphore_mem>>) src(%dma_wait3A_16 : memref<64xi32, #tpu.memory_space<hbm>>) dst(%arg9 : memref<64xi32, #tpu.memory_space<vmem>>)
      tpu.yield
    }) : () -> ()
    "tpu.region"() ({
      %run_scoped3A = tpu.sem_alloc : memref<!tpu.dma_semaphore, #tpu.memory_space<semaphore_mem>>
      %dma_start3A_13 = tpu.memref_slice %arg4[%mul3A_2] : memref<2048xi32, #tpu.memory_space<hbm>> -> memref<64xi32, #tpu.memory_space<hbm>>
      %dma_start3A_14 = tpu.memref_slice %arg4[%mul3A_2] : memref<2048xi32, #tpu.memory_space<hbm>> -> memref<64xi32, #tpu.memory_space<hbm>>
      tpu.enqueue_dma source(%dma_start3A_14 : memref<64xi32, #tpu.memory_space<hbm>>) target(%arg10 : memref<64xi32, #tpu.memory_space<vmem>>) target_semaphore(%run_scoped3A : memref<!tpu.dma_semaphore, #tpu.memory_space<semaphore_mem>>)
      %dma_wait3A_15 = tpu.memref_slice %arg4[%mul3A_2] : memref<2048xi32, #tpu.memory_space<hbm>> -> memref<64xi32, #tpu.memory_space<hbm>>
      %dma_wait3A_16 = tpu.memref_slice %arg4[%mul3A_2] : memref<2048xi32, #tpu.memory_space<hbm>> -> memref<64xi32, #tpu.memory_space<hbm>>
      tpu.wait_dma2 semaphore(%run_scoped3A : memref<!tpu.dma_semaphore, #tpu.memory_space<semaphore_mem>>) src(%dma_wait3A_16 : memref<64xi32, #tpu.memory_space<hbm>>) dst(%arg10 : memref<64xi32, #tpu.memory_space<vmem>>)
      tpu.yield
    }) : () -> ()
    %dma_start3A = arith.constant 0 : i32
    %dma_start3A_3 = arith.constant 0 : i32
    %dma_start3A_4 = tpu.memref_slice %arg2[%dma_start3A, %dma_start3A_3] : memref<8192x768xf32, #tpu.memory_space<hbm>> -> memref<8192x768xf32, #tpu.memory_space<hbm>>
    tpu.enqueue_indirect_dma source(%dma_start3A_4 : memref<8192x768xf32, #tpu.memory_space<hbm>>) target(%arg7 : memref<64x768xf32, #tpu.memory_space<vmem>>) offsets(%arg9 : memref<64xi32, #tpu.memory_space<vmem>>) semaphore(%arg11 : memref<!tpu.dma_semaphore, #tpu.memory_space<semaphore_mem>>)
    %dma_start3A_5 = arith.constant 0 : i32
    %dma_start3A_6 = arith.constant 0 : i32
    %dma_start3A_7 = tpu.memref_slice %arg2[%dma_start3A_5, %dma_start3A_6] : memref<8192x768xf32, #tpu.memory_space<hbm>> -> memref<8192x768xf32, #tpu.memory_space<hbm>>
    tpu.enqueue_indirect_dma source(%dma_start3A_7 : memref<8192x768xf32, #tpu.memory_space<hbm>>) target(%arg8 : memref<64x768xf32, #tpu.memory_space<vmem>>) offsets(%arg10 : memref<64xi32, #tpu.memory_space<vmem>>) semaphore(%arg11 : memref<!tpu.dma_semaphore, #tpu.memory_space<semaphore_mem>>)
    %dma_wait3A = arith.constant 0 : i32
    %dma_wait3A_8 = arith.constant 0 : i32
    %dma_wait3A_9 = tpu.memref_slice %arg2[%dma_wait3A, %dma_wait3A_8] : memref<8192x768xf32, #tpu.memory_space<hbm>> -> memref<8192x768xf32, #tpu.memory_space<hbm>>
    tpu.wait_indirect_dma semaphore(%arg11 : memref<!tpu.dma_semaphore, #tpu.memory_space<semaphore_mem>>) src(%dma_wait3A_9 : memref<8192x768xf32, #tpu.memory_space<hbm>>) dst(%arg7 : memref<64x768xf32, #tpu.memory_space<vmem>>)
    %dma_wait3A_10 = arith.constant 0 : i32
    %dma_wait3A_11 = arith.constant 0 : i32
    %dma_wait3A_12 = tpu.memref_slice %arg2[%dma_wait3A_10, %dma_wait3A_11] : memref<8192x768xf32, #tpu.memory_space<hbm>> -> memref<8192x768xf32, #tpu.memory_space<hbm>>
    tpu.wait_indirect_dma semaphore(%arg11 : memref<!tpu.dma_semaphore, #tpu.memory_space<semaphore_mem>>) src(%dma_wait3A_12 : memref<8192x768xf32, #tpu.memory_space<hbm>>) dst(%arg8 : memref<64x768xf32, #tpu.memory_space<vmem>>)
    "tpu.region"() ({
      %run_scoped3A = tpu.sem_alloc : memref<!tpu.dma_semaphore, #tpu.memory_space<semaphore_mem>>
      %dma_start3A_13 = arith.constant 0 : i32
      %dma_start3A_14 = tpu.memref_slice %arg5[%mul3A_2, %dma_start3A_13] : memref<2048x768xf32, #tpu.memory_space<hbm>> -> memref<64x768xf32, #tpu.memory_space<hbm>>
      %dma_start3A_15 = arith.constant 0 : i32
      %dma_start3A_16 = tpu.memref_slice %arg5[%mul3A_2, %dma_start3A_15] : memref<2048x768xf32, #tpu.memory_space<hbm>> -> memref<64x768xf32, #tpu.memory_space<hbm>>
      tpu.enqueue_dma source(%arg7 : memref<64x768xf32, #tpu.memory_space<vmem>>) target(%dma_start3A_16 : memref<64x768xf32, #tpu.memory_space<hbm>>) target_semaphore(%run_scoped3A : memref<!tpu.dma_semaphore, #tpu.memory_space<semaphore_mem>>)
      %dma_wait3A_17 = arith.constant 0 : i32
      %dma_wait3A_18 = tpu.memref_slice %arg5[%mul3A_2, %dma_wait3A_17] : memref<2048x768xf32, #tpu.memory_space<hbm>> -> memref<64x768xf32, #tpu.memory_space<hbm>>
      %dma_wait3A_19 = arith.constant 0 : i32
      %dma_wait3A_20 = tpu.memref_slice %arg5[%mul3A_2, %dma_wait3A_19] : memref<2048x768xf32, #tpu.memory_space<hbm>> -> memref<64x768xf32, #tpu.memory_space<hbm>>
      tpu.wait_dma2 semaphore(%run_scoped3A : memref<!tpu.dma_semaphore, #tpu.memory_space<semaphore_mem>>) src(%arg7 : memref<64x768xf32, #tpu.memory_space<vmem>>) dst(%dma_wait3A_20 : memref<64x768xf32, #tpu.memory_space<hbm>>)
      tpu.yield
    }) : () -> ()
    "tpu.region"() ({
      %run_scoped3A = tpu.sem_alloc : memref<!tpu.dma_semaphore, #tpu.memory_space<semaphore_mem>>
      %dma_start3A_13 = arith.constant 0 : i32
      %dma_start3A_14 = tpu.memref_slice %arg6[%mul3A_2, %dma_start3A_13] : memref<2048x768xf32, #tpu.memory_space<hbm>> -> memref<64x768xf32, #tpu.memory_space<hbm>>
      %dma_start3A_15 = arith.constant 0 : i32
      %dma_start3A_16 = tpu.memref_slice %arg6[%mul3A_2, %dma_start3A_15] : memref<2048x768xf32, #tpu.memory_space<hbm>> -> memref<64x768xf32, #tpu.memory_space<hbm>>
      tpu.enqueue_dma source(%arg8 : memref<64x768xf32, #tpu.memory_space<vmem>>) target(%dma_start3A_16 : memref<64x768xf32, #tpu.memory_space<hbm>>) target_semaphore(%run_scoped3A : memref<!tpu.dma_semaphore, #tpu.memory_space<semaphore_mem>>)
      %dma_wait3A_17 = arith.constant 0 : i32
      %dma_wait3A_18 = tpu.memref_slice %arg6[%mul3A_2, %dma_wait3A_17] : memref<2048x768xf32, #tpu.memory_space<hbm>> -> memref<64x768xf32, #tpu.memory_space<hbm>>
      %dma_wait3A_19 = arith.constant 0 : i32
      %dma_wait3A_20 = tpu.memref_slice %arg6[%mul3A_2, %dma_wait3A_19] : memref<2048x768xf32, #tpu.memory_space<hbm>> -> memref<64x768xf32, #tpu.memory_space<hbm>>
      tpu.wait_dma2 semaphore(%run_scoped3A : memref<!tpu.dma_semaphore, #tpu.memory_space<semaphore_mem>>) src(%arg8 : memref<64x768xf32, #tpu.memory_space<vmem>>) dst(%dma_wait3A_20 : memref<64x768xf32, #tpu.memory_space<hbm>>)
      tpu.yield
    }) : () -> ()
    return
  }
}

#map = affine_map<(d0, d1) -> (0, 0)>
#map1 = affine_map<(d0, d1) -> (0)>
module attributes {stable_mosaic.version = 14 : i64} {
  func.func @disp(%arg0: i32, %arg1: i32, %arg2: memref<2048x768xf32, #tpu.memory_space<hbm>>, %arg3: memref<2048xi32, #tpu.memory_space<hbm>>, %arg4: memref<2048xi32, #tpu.memory_space<hbm>>, %arg5: memref<2048x128xf32, #tpu.memory_space<hbm>>, %arg6: memref<2048x128xf32, #tpu.memory_space<hbm>>, %arg7: memref<8192x768xf32, #tpu.memory_space<hbm>>, %arg8: memref<8192x128xf32, #tpu.memory_space<hbm>>, %arg9: memref<64x768xf32, #tpu.memory_space<vmem>>, %arg10: memref<64x128xf32, #tpu.memory_space<vmem>>, %arg11: memref<64x128xf32, #tpu.memory_space<vmem>>, %arg12: memref<64xi32, #tpu.memory_space<vmem>>, %arg13: memref<64xi32, #tpu.memory_space<vmem>>, %arg14: memref<!tpu.dma_semaphore, #tpu.memory_space<semaphore_mem>>) attributes {dimension_semantics = [#tpu.dimension_semantics<core_parallel>, #tpu.dimension_semantics<subcore_parallel>], iteration_bounds = array<i64: 2, 16>, scalar_prefetch = 0 : i64, scratch_operands = 6 : i64, tpu.core_type = #tpu.core_type<sc_vector_subcore>, window_params = [{transform_indices = #map}, {transform_indices = #map1}, {transform_indices = #map1}, {transform_indices = #map}, {transform_indices = #map}, {transform_indices = #map}, {transform_indices = #map}]} {
    %mul3A = arith.constant 2 : i32
    %mul3A_0 = arith.muli %arg1, %mul3A : i32
    %add3A = arith.addi %mul3A_0, %arg0 : i32
    %mul3A_1 = arith.constant 64 : i32
    %mul3A_2 = arith.muli %add3A, %mul3A_1 : i32
    "tpu.region"() ({
      %run_scoped3A = tpu.sem_alloc : memref<!tpu.dma_semaphore, #tpu.memory_space<semaphore_mem>>
      %dma_start3A_25 = tpu.memref_slice %arg3[%mul3A_2] : memref<2048xi32, #tpu.memory_space<hbm>> -> memref<64xi32, #tpu.memory_space<hbm>>
      %dma_start3A_26 = tpu.memref_slice %arg3[%mul3A_2] : memref<2048xi32, #tpu.memory_space<hbm>> -> memref<64xi32, #tpu.memory_space<hbm>>
      tpu.enqueue_dma source(%dma_start3A_26 : memref<64xi32, #tpu.memory_space<hbm>>) target(%arg12 : memref<64xi32, #tpu.memory_space<vmem>>) target_semaphore(%run_scoped3A : memref<!tpu.dma_semaphore, #tpu.memory_space<semaphore_mem>>)
      %dma_wait3A_27 = tpu.memref_slice %arg3[%mul3A_2] : memref<2048xi32, #tpu.memory_space<hbm>> -> memref<64xi32, #tpu.memory_space<hbm>>
      %dma_wait3A_28 = tpu.memref_slice %arg3[%mul3A_2] : memref<2048xi32, #tpu.memory_space<hbm>> -> memref<64xi32, #tpu.memory_space<hbm>>
      tpu.wait_dma2 semaphore(%run_scoped3A : memref<!tpu.dma_semaphore, #tpu.memory_space<semaphore_mem>>) src(%dma_wait3A_28 : memref<64xi32, #tpu.memory_space<hbm>>) dst(%arg12 : memref<64xi32, #tpu.memory_space<vmem>>)
      tpu.yield
    }) : () -> ()
    "tpu.region"() ({
      %run_scoped3A = tpu.sem_alloc : memref<!tpu.dma_semaphore, #tpu.memory_space<semaphore_mem>>
      %dma_start3A_25 = tpu.memref_slice %arg4[%mul3A_2] : memref<2048xi32, #tpu.memory_space<hbm>> -> memref<64xi32, #tpu.memory_space<hbm>>
      %dma_start3A_26 = tpu.memref_slice %arg4[%mul3A_2] : memref<2048xi32, #tpu.memory_space<hbm>> -> memref<64xi32, #tpu.memory_space<hbm>>
      tpu.enqueue_dma source(%dma_start3A_26 : memref<64xi32, #tpu.memory_space<hbm>>) target(%arg13 : memref<64xi32, #tpu.memory_space<vmem>>) target_semaphore(%run_scoped3A : memref<!tpu.dma_semaphore, #tpu.memory_space<semaphore_mem>>)
      %dma_wait3A_27 = tpu.memref_slice %arg4[%mul3A_2] : memref<2048xi32, #tpu.memory_space<hbm>> -> memref<64xi32, #tpu.memory_space<hbm>>
      %dma_wait3A_28 = tpu.memref_slice %arg4[%mul3A_2] : memref<2048xi32, #tpu.memory_space<hbm>> -> memref<64xi32, #tpu.memory_space<hbm>>
      tpu.wait_dma2 semaphore(%run_scoped3A : memref<!tpu.dma_semaphore, #tpu.memory_space<semaphore_mem>>) src(%dma_wait3A_28 : memref<64xi32, #tpu.memory_space<hbm>>) dst(%arg13 : memref<64xi32, #tpu.memory_space<vmem>>)
      tpu.yield
    }) : () -> ()
    "tpu.region"() ({
      %run_scoped3A = tpu.sem_alloc : memref<!tpu.dma_semaphore, #tpu.memory_space<semaphore_mem>>
      %dma_start3A_25 = arith.constant 0 : i32
      %dma_start3A_26 = tpu.memref_slice %arg2[%mul3A_2, %dma_start3A_25] : memref<2048x768xf32, #tpu.memory_space<hbm>> -> memref<64x768xf32, #tpu.memory_space<hbm>>
      %dma_start3A_27 = arith.constant 0 : i32
      %dma_start3A_28 = tpu.memref_slice %arg2[%mul3A_2, %dma_start3A_27] : memref<2048x768xf32, #tpu.memory_space<hbm>> -> memref<64x768xf32, #tpu.memory_space<hbm>>
      tpu.enqueue_dma source(%dma_start3A_28 : memref<64x768xf32, #tpu.memory_space<hbm>>) target(%arg9 : memref<64x768xf32, #tpu.memory_space<vmem>>) target_semaphore(%run_scoped3A : memref<!tpu.dma_semaphore, #tpu.memory_space<semaphore_mem>>)
      %dma_wait3A_29 = arith.constant 0 : i32
      %dma_wait3A_30 = tpu.memref_slice %arg2[%mul3A_2, %dma_wait3A_29] : memref<2048x768xf32, #tpu.memory_space<hbm>> -> memref<64x768xf32, #tpu.memory_space<hbm>>
      %dma_wait3A_31 = arith.constant 0 : i32
      %dma_wait3A_32 = tpu.memref_slice %arg2[%mul3A_2, %dma_wait3A_31] : memref<2048x768xf32, #tpu.memory_space<hbm>> -> memref<64x768xf32, #tpu.memory_space<hbm>>
      tpu.wait_dma2 semaphore(%run_scoped3A : memref<!tpu.dma_semaphore, #tpu.memory_space<semaphore_mem>>) src(%dma_wait3A_32 : memref<64x768xf32, #tpu.memory_space<hbm>>) dst(%arg9 : memref<64x768xf32, #tpu.memory_space<vmem>>)
      tpu.yield
    }) : () -> ()
    "tpu.region"() ({
      %run_scoped3A = tpu.sem_alloc : memref<!tpu.dma_semaphore, #tpu.memory_space<semaphore_mem>>
      %dma_start3A_25 = arith.constant 0 : i32
      %dma_start3A_26 = tpu.memref_slice %arg5[%mul3A_2, %dma_start3A_25] : memref<2048x128xf32, #tpu.memory_space<hbm>> -> memref<64x128xf32, #tpu.memory_space<hbm>>
      %dma_start3A_27 = arith.constant 0 : i32
      %dma_start3A_28 = tpu.memref_slice %arg5[%mul3A_2, %dma_start3A_27] : memref<2048x128xf32, #tpu.memory_space<hbm>> -> memref<64x128xf32, #tpu.memory_space<hbm>>
      tpu.enqueue_dma source(%dma_start3A_28 : memref<64x128xf32, #tpu.memory_space<hbm>>) target(%arg10 : memref<64x128xf32, #tpu.memory_space<vmem>>) target_semaphore(%run_scoped3A : memref<!tpu.dma_semaphore, #tpu.memory_space<semaphore_mem>>)
      %dma_wait3A_29 = arith.constant 0 : i32
      %dma_wait3A_30 = tpu.memref_slice %arg5[%mul3A_2, %dma_wait3A_29] : memref<2048x128xf32, #tpu.memory_space<hbm>> -> memref<64x128xf32, #tpu.memory_space<hbm>>
      %dma_wait3A_31 = arith.constant 0 : i32
      %dma_wait3A_32 = tpu.memref_slice %arg5[%mul3A_2, %dma_wait3A_31] : memref<2048x128xf32, #tpu.memory_space<hbm>> -> memref<64x128xf32, #tpu.memory_space<hbm>>
      tpu.wait_dma2 semaphore(%run_scoped3A : memref<!tpu.dma_semaphore, #tpu.memory_space<semaphore_mem>>) src(%dma_wait3A_32 : memref<64x128xf32, #tpu.memory_space<hbm>>) dst(%arg10 : memref<64x128xf32, #tpu.memory_space<vmem>>)
      tpu.yield
    }) : () -> ()
    "tpu.region"() ({
      %run_scoped3A = tpu.sem_alloc : memref<!tpu.dma_semaphore, #tpu.memory_space<semaphore_mem>>
      %dma_start3A_25 = arith.constant 0 : i32
      %dma_start3A_26 = tpu.memref_slice %arg6[%mul3A_2, %dma_start3A_25] : memref<2048x128xf32, #tpu.memory_space<hbm>> -> memref<64x128xf32, #tpu.memory_space<hbm>>
      %dma_start3A_27 = arith.constant 0 : i32
      %dma_start3A_28 = tpu.memref_slice %arg6[%mul3A_2, %dma_start3A_27] : memref<2048x128xf32, #tpu.memory_space<hbm>> -> memref<64x128xf32, #tpu.memory_space<hbm>>
      tpu.enqueue_dma source(%dma_start3A_28 : memref<64x128xf32, #tpu.memory_space<hbm>>) target(%arg11 : memref<64x128xf32, #tpu.memory_space<vmem>>) target_semaphore(%run_scoped3A : memref<!tpu.dma_semaphore, #tpu.memory_space<semaphore_mem>>)
      %dma_wait3A_29 = arith.constant 0 : i32
      %dma_wait3A_30 = tpu.memref_slice %arg6[%mul3A_2, %dma_wait3A_29] : memref<2048x128xf32, #tpu.memory_space<hbm>> -> memref<64x128xf32, #tpu.memory_space<hbm>>
      %dma_wait3A_31 = arith.constant 0 : i32
      %dma_wait3A_32 = tpu.memref_slice %arg6[%mul3A_2, %dma_wait3A_31] : memref<2048x128xf32, #tpu.memory_space<hbm>> -> memref<64x128xf32, #tpu.memory_space<hbm>>
      tpu.wait_dma2 semaphore(%run_scoped3A : memref<!tpu.dma_semaphore, #tpu.memory_space<semaphore_mem>>) src(%dma_wait3A_32 : memref<64x128xf32, #tpu.memory_space<hbm>>) dst(%arg11 : memref<64x128xf32, #tpu.memory_space<vmem>>)
      tpu.yield
    }) : () -> ()
    %dma_start3A = arith.constant 0 : i32
    %dma_start3A_3 = arith.constant 0 : i32
    %dma_start3A_4 = tpu.memref_slice %arg7[%dma_start3A, %dma_start3A_3] : memref<8192x768xf32, #tpu.memory_space<hbm>> -> memref<8192x768xf32, #tpu.memory_space<hbm>>
    tpu.enqueue_indirect_dma source(%arg9 : memref<64x768xf32, #tpu.memory_space<vmem>>) target(%dma_start3A_4 : memref<8192x768xf32, #tpu.memory_space<hbm>>) offsets(%arg12 : memref<64xi32, #tpu.memory_space<vmem>>) semaphore(%arg14 : memref<!tpu.dma_semaphore, #tpu.memory_space<semaphore_mem>>)
    %dma_start3A_5 = arith.constant 0 : i32
    %dma_start3A_6 = arith.constant 0 : i32
    %dma_start3A_7 = tpu.memref_slice %arg7[%dma_start3A_5, %dma_start3A_6] : memref<8192x768xf32, #tpu.memory_space<hbm>> -> memref<8192x768xf32, #tpu.memory_space<hbm>>
    tpu.enqueue_indirect_dma source(%arg9 : memref<64x768xf32, #tpu.memory_space<vmem>>) target(%dma_start3A_7 : memref<8192x768xf32, #tpu.memory_space<hbm>>) offsets(%arg13 : memref<64xi32, #tpu.memory_space<vmem>>) semaphore(%arg14 : memref<!tpu.dma_semaphore, #tpu.memory_space<semaphore_mem>>)
    %dma_start3A_8 = arith.constant 0 : i32
    %dma_start3A_9 = arith.constant 0 : i32
    %dma_start3A_10 = tpu.memref_slice %arg8[%dma_start3A_8, %dma_start3A_9] : memref<8192x128xf32, #tpu.memory_space<hbm>> -> memref<8192x128xf32, #tpu.memory_space<hbm>>
    tpu.enqueue_indirect_dma source(%arg10 : memref<64x128xf32, #tpu.memory_space<vmem>>) target(%dma_start3A_10 : memref<8192x128xf32, #tpu.memory_space<hbm>>) offsets(%arg12 : memref<64xi32, #tpu.memory_space<vmem>>) semaphore(%arg14 : memref<!tpu.dma_semaphore, #tpu.memory_space<semaphore_mem>>)
    %dma_start3A_11 = arith.constant 0 : i32
    %dma_start3A_12 = arith.constant 0 : i32
    %dma_start3A_13 = tpu.memref_slice %arg8[%dma_start3A_11, %dma_start3A_12] : memref<8192x128xf32, #tpu.memory_space<hbm>> -> memref<8192x128xf32, #tpu.memory_space<hbm>>
    tpu.enqueue_indirect_dma source(%arg11 : memref<64x128xf32, #tpu.memory_space<vmem>>) target(%dma_start3A_13 : memref<8192x128xf32, #tpu.memory_space<hbm>>) offsets(%arg13 : memref<64xi32, #tpu.memory_space<vmem>>) semaphore(%arg14 : memref<!tpu.dma_semaphore, #tpu.memory_space<semaphore_mem>>)
    %dma_wait3A = arith.constant 0 : i32
    %dma_wait3A_14 = arith.constant 0 : i32
    %dma_wait3A_15 = tpu.memref_slice %arg7[%dma_wait3A, %dma_wait3A_14] : memref<8192x768xf32, #tpu.memory_space<hbm>> -> memref<8192x768xf32, #tpu.memory_space<hbm>>
    tpu.wait_indirect_dma semaphore(%arg14 : memref<!tpu.dma_semaphore, #tpu.memory_space<semaphore_mem>>) src(%arg9 : memref<64x768xf32, #tpu.memory_space<vmem>>) dst(%dma_wait3A_15 : memref<8192x768xf32, #tpu.memory_space<hbm>>)
    %dma_wait3A_16 = arith.constant 0 : i32
    %dma_wait3A_17 = arith.constant 0 : i32
    %dma_wait3A_18 = tpu.memref_slice %arg7[%dma_wait3A_16, %dma_wait3A_17] : memref<8192x768xf32, #tpu.memory_space<hbm>> -> memref<8192x768xf32, #tpu.memory_space<hbm>>
    tpu.wait_indirect_dma semaphore(%arg14 : memref<!tpu.dma_semaphore, #tpu.memory_space<semaphore_mem>>) src(%arg9 : memref<64x768xf32, #tpu.memory_space<vmem>>) dst(%dma_wait3A_18 : memref<8192x768xf32, #tpu.memory_space<hbm>>)
    %dma_wait3A_19 = arith.constant 0 : i32
    %dma_wait3A_20 = arith.constant 0 : i32
    %dma_wait3A_21 = tpu.memref_slice %arg8[%dma_wait3A_19, %dma_wait3A_20] : memref<8192x128xf32, #tpu.memory_space<hbm>> -> memref<8192x128xf32, #tpu.memory_space<hbm>>
    tpu.wait_indirect_dma semaphore(%arg14 : memref<!tpu.dma_semaphore, #tpu.memory_space<semaphore_mem>>) src(%arg10 : memref<64x128xf32, #tpu.memory_space<vmem>>) dst(%dma_wait3A_21 : memref<8192x128xf32, #tpu.memory_space<hbm>>)
    %dma_wait3A_22 = arith.constant 0 : i32
    %dma_wait3A_23 = arith.constant 0 : i32
    %dma_wait3A_24 = tpu.memref_slice %arg8[%dma_wait3A_22, %dma_wait3A_23] : memref<8192x128xf32, #tpu.memory_space<hbm>> -> memref<8192x128xf32, #tpu.memory_space<hbm>>
    tpu.wait_indirect_dma semaphore(%arg14 : memref<!tpu.dma_semaphore, #tpu.memory_space<semaphore_mem>>) src(%arg11 : memref<64x128xf32, #tpu.memory_space<vmem>>) dst(%dma_wait3A_24 : memref<8192x128xf32, #tpu.memory_space<hbm>>)
    return
  }
}

module attributes {stable_mosaic.version = 14 : i64} {
  func.func @_sh_body(%arg0: i32, %arg1: memref<512x768xf32, #tpu.memory_space<vmem>>, %arg2: memref<2048x768xf32, #tpu.memory_space<vmem>>, %arg3: memref<2048x768xf32, #tpu.memory_space<vmem>>, %arg4: memref<768x2048xf32, #tpu.memory_space<vmem>>, %arg5: memref<1x768xf32, #tpu.memory_space<vmem>>, %arg6: memref<512x768xf32, #tpu.memory_space<vmem>>, %arg7: memref<2048x768xbf16, #tpu.memory_space<vmem>>, %arg8: memref<2048x768xbf16, #tpu.memory_space<vmem>>, %arg9: memref<768x2048xbf16, #tpu.memory_space<vmem>>) attributes {dimension_semantics = [#tpu.dimension_semantics<arbitrary>], iteration_bounds = array<i64: 4>, scalar_prefetch = 0 : i64, scratch_operands = 3 : i64, tpu.core_type = #tpu.core_type<tc>, window_params = [{transform_indices = @transform_0, window_bounds = array<i64: 512, 768>}, {pipeline_mode = #tpu.pipeline_mode<synchronous>, transform_indices = @transform_1, window_bounds = array<i64: 2048, 768>}, {pipeline_mode = #tpu.pipeline_mode<synchronous>, transform_indices = @transform_2, window_bounds = array<i64: 2048, 768>}, {pipeline_mode = #tpu.pipeline_mode<synchronous>, transform_indices = @transform_3, window_bounds = array<i64: 768, 2048>}, {pipeline_mode = #tpu.pipeline_mode<synchronous>, transform_indices = @transform_4, window_bounds = array<i64: 1, 768>}, {transform_indices = @transform_5, window_bounds = array<i64: 512, 768>}]} {
    %eq3A = arith.constant 0 : i32
    %eq3A_0 = arith.cmpi eq, %arg0, %eq3A : i32
    %convert_element_type3A = arith.extui %eq3A_0 : i1 to i32
    %cond3A = arith.constant 0 : i32
    %cond3A_1 = arith.cmpi ne, %convert_element_type3A, %cond3A : i32
    scf.if %cond3A_1 {
      %get3A_43 = arith.constant 0 : index
      %get3A_44 = arith.constant 0 : index
      %get3A_45 = vector.load %arg2[%get3A_43, %get3A_44] : memref<2048x768xf32, #tpu.memory_space<vmem>>, vector<2048x768xf32>
      %convert_element_type3A_46 = arith.truncf %get3A_45 : vector<2048x768xf32> to vector<2048x768xbf16>
      %swap3A_47 = arith.constant 0 : index
      %swap3A_48 = arith.constant 0 : index
      %swap3A_49 = vector.load %arg7[%swap3A_47, %swap3A_48] : memref<2048x768xbf16, #tpu.memory_space<vmem>>, vector<2048x768xbf16>
      tpu.vector_store %arg7[%swap3A_47, %swap3A_48], %convert_element_type3A_46 {strides = array<i32>} : memref<2048x768xbf16, #tpu.memory_space<vmem>>, vector<2048x768xbf16>,
      %get3A_50 = arith.constant 0 : index
      %get3A_51 = arith.constant 0 : index
      %get3A_52 = vector.load %arg3[%get3A_50, %get3A_51] : memref<2048x768xf32, #tpu.memory_space<vmem>>, vector<2048x768xf32>
      %convert_element_type3A_53 = arith.truncf %get3A_52 : vector<2048x768xf32> to vector<2048x768xbf16>
      %swap3A_54 = arith.constant 0 : index
      %swap3A_55 = arith.constant 0 : index
      %swap3A_56 = vector.load %arg8[%swap3A_54, %swap3A_55] : memref<2048x768xbf16, #tpu.memory_space<vmem>>, vector<2048x768xbf16>
      tpu.vector_store %arg8[%swap3A_54, %swap3A_55], %convert_element_type3A_53 {strides = array<i32>} : memref<2048x768xbf16, #tpu.memory_space<vmem>>, vector<2048x768xbf16>,
      %get3A_57 = arith.constant 0 : index
      %get3A_58 = arith.constant 0 : index
      %get3A_59 = vector.load %arg4[%get3A_57, %get3A_58] : memref<768x2048xf32, #tpu.memory_space<vmem>>, vector<768x2048xf32>
      %convert_element_type3A_60 = arith.truncf %get3A_59 : vector<768x2048xf32> to vector<768x2048xbf16>
      %swap3A_61 = arith.constant 0 : index
      %swap3A_62 = arith.constant 0 : index
      %swap3A_63 = vector.load %arg9[%swap3A_61, %swap3A_62] : memref<768x2048xbf16, #tpu.memory_space<vmem>>, vector<768x2048xbf16>
      tpu.vector_store %arg9[%swap3A_61, %swap3A_62], %convert_element_type3A_60 {strides = array<i32>} : memref<768x2048xbf16, #tpu.memory_space<vmem>>, vector<768x2048xbf16>,
    } else {
    }
    %get3A = arith.constant 0 : index
    %get3A_2 = arith.constant 0 : index
    %get3A_3 = vector.load %arg1[%get3A, %get3A_2] : memref<512x768xf32, #tpu.memory_space<vmem>>, vector<512x768xf32>
    %convert_element_type3A_4 = arith.truncf %get3A_3 : vector<512x768xf32> to vector<512x768xbf16>
    %get3A_5 = arith.constant 0 : index
    %get3A_6 = arith.constant 0 : index
    %get3A_7 = vector.load %arg7[%get3A_5, %get3A_6] : memref<2048x768xbf16, #tpu.memory_space<vmem>>, vector<2048x768xbf16>
    %dot_general3A = arith.constant dense<0.000000e+00> : vector<512x2048xf32>
    %dot_general3A_8 = tpu.matmul %convert_element_type3A_4, %get3A_7, %dot_general3A {dimension_numbers = #tpu.dot_dimension_numbers<[1], [1], [0], [0], [0, 0, 1, 0], [], []>, transpose_lhs_hint = false} : vector<512x768xbf16>, vector<2048x768xbf16>, vector<512x2048xf32> -> vector<512x2048xf32>
    %get3A_9 = arith.constant 0 : index
    %get3A_10 = arith.constant 0 : index
    %get3A_11 = vector.load %arg8[%get3A_9, %get3A_10] : memref<2048x768xbf16, #tpu.memory_space<vmem>>, vector<2048x768xbf16>
    %dot_general3A_12 = arith.constant dense<0.000000e+00> : vector<512x2048xf32>
    %dot_general3A_13 = tpu.matmul %convert_element_type3A_4, %get3A_11, %dot_general3A_12 {dimension_numbers = #tpu.dot_dimension_numbers<[1], [1], [0], [0], [0, 0, 1, 0], [], []>, transpose_lhs_hint = false} : vector<512x768xbf16>, vector<2048x768xbf16>, vector<512x2048xf32> -> vector<512x2048xf32>
    %neg3A = arith.constant 0.000000e+00 : f32
    %neg3A_14 = vector.broadcast %neg3A : f32 to vector<512x2048xf32>
    %neg3A_15 = arith.subf %neg3A_14, %dot_general3A_13 : vector<512x2048xf32>
    %exp3A = math.exp %neg3A_15 : vector<512x2048xf32>
    %add3A = arith.constant 1.000000e+00 : f32
    %add3A_16 = vector.broadcast %add3A : f32 to vector<512x2048xf32>
    %add3A_17 = arith.addf %add3A_16, %exp3A : vector<512x2048xf32>
    %div3A = arith.divf %dot_general3A_13, %add3A_17 : vector<512x2048xf32>
    %mul3A = arith.mulf %dot_general3A_8, %div3A : vector<512x2048xf32>
    %convert_element_type3A_18 = arith.truncf %mul3A : vector<512x2048xf32> to vector<512x2048xbf16>
    %get3A_19 = arith.constant 0 : index
    %get3A_20 = arith.constant 0 : index
    %get3A_21 = vector.load %arg9[%get3A_19, %get3A_20] : memref<768x2048xbf16, #tpu.memory_space<vmem>>, vector<768x2048xbf16>
    %dot_general3A_22 = arith.constant dense<0.000000e+00> : vector<512x768xf32>
    %dot_general3A_23 = tpu.matmul %convert_element_type3A_18, %get3A_21, %dot_general3A_22 {dimension_numbers = #tpu.dot_dimension_numbers<[1], [1], [0], [0], [0, 0, 1, 0], [], []>, transpose_lhs_hint = false} : vector<512x2048xbf16>, vector<768x2048xbf16>, vector<512x768xf32> -> vector<512x768xf32>
    %get3A_24 = arith.constant 0 : index
    %get3A_25 = arith.constant 0 : index
    %get3A_26 = vector.load %arg5[%get3A_24, %get3A_25] : memref<1x768xf32, #tpu.memory_space<vmem>>, vector<1x768xf32>
    %dot_general3A_27 = arith.constant dense<0.000000e+00> : vector<512x1xf32>
    %dot_general3A_28 = tpu.matmul %get3A_3, %get3A_26, %dot_general3A_27 {dimension_numbers = #tpu.dot_dimension_numbers<[1], [1], [0], [0], [0, 0, 1, 0], [], []>, transpose_lhs_hint = false} : vector<512x768xf32>, vector<1x768xf32>, vector<512x1xf32> -> vector<512x1xf32>
    %neg3A_29 = arith.constant 0.000000e+00 : f32
    %neg3A_30 = vector.broadcast %neg3A_29 : f32 to vector<512x1xf32>
    %neg3A_31 = arith.subf %neg3A_30, %dot_general3A_28 : vector<512x1xf32>
    %exp3A_32 = math.exp %neg3A_31 : vector<512x1xf32>
    %add3A_33 = arith.constant 1.000000e+00 : f32
    %add3A_34 = vector.broadcast %add3A_33 : f32 to vector<512x1xf32>
    %add3A_35 = arith.addf %add3A_34, %exp3A_32 : vector<512x1xf32>
    %div3A_36 = arith.constant 1.000000e+00 : f32
    %div3A_37 = vector.broadcast %div3A_36 : f32 to vector<512x1xf32>
    %div3A_38 = arith.divf %div3A_37, %add3A_35 : vector<512x1xf32>
    %mul3A_39 = vector.broadcast %div3A_38 : vector<512x1xf32> to vector<512x768xf32>
    %mul3A_40 = arith.mulf %dot_general3A_23, %mul3A_39 : vector<512x768xf32>
    %swap3A = arith.constant 0 : index
    %swap3A_41 = arith.constant 0 : index
    %swap3A_42 = vector.load %arg6[%swap3A, %swap3A_41] : memref<512x768xf32, #tpu.memory_space<vmem>>, vector<512x768xf32>
    tpu.vector_store %arg6[%swap3A, %swap3A_41], %mul3A_40 {strides = array<i32>} : memref<512x768xf32, #tpu.memory_space<vmem>>, vector<512x768xf32>,
    return
  }
  func.func @transform_0(%arg0: i32) -> (i32, i32) {
    %c0_i32 = arith.constant 0 : i32
    %c0_i32_0 = arith.constant 0 : i32
    return %arg0, %c0_i32 : i32, i32
  }
  func.func @transform_1(%arg0: i32) -> (i32, i32) {
    %c0_i32 = arith.constant 0 : i32
    %c0_i32_0 = arith.constant 0 : i32
    %c0_i32_1 = arith.constant 0 : i32
    return %c0_i32, %c0_i32_0 : i32, i32
  }
  func.func @transform_2(%arg0: i32) -> (i32, i32) {
    %c0_i32 = arith.constant 0 : i32
    %c0_i32_0 = arith.constant 0 : i32
    %c0_i32_1 = arith.constant 0 : i32
    return %c0_i32, %c0_i32_0 : i32, i32
  }
  func.func @transform_3(%arg0: i32) -> (i32, i32) {
    %c0_i32 = arith.constant 0 : i32
    %c0_i32_0 = arith.constant 0 : i32
    %c0_i32_1 = arith.constant 0 : i32
    return %c0_i32, %c0_i32_0 : i32, i32
  }
  func.func @transform_4(%arg0: i32) -> (i32, i32) {
    %c0_i32 = arith.constant 0 : i32
    %c0_i32_0 = arith.constant 0 : i32
    %c0_i32_1 = arith.constant 0 : i32
    return %c0_i32, %c0_i32_0 : i32, i32
  }
  func.func @transform_5(%arg0: i32) -> (i32, i32) {
    %c0_i32 = arith.constant 0 : i32
    %c0_i32_0 = arith.constant 0 : i32
    return %arg0, %c0_i32 : i32, i32
  }
}

module attributes {stable_mosaic.version = 14 : i64} {
  func.func @_router_body(%arg0: memref<2048x768xf32, #tpu.memory_space<vmem>>, %arg1: memref<8x768xf32, #tpu.memory_space<vmem>>, %arg2: memref<2048x1xi32, #tpu.memory_space<vmem>>, %arg3: memref<2048x1xi32, #tpu.memory_space<vmem>>, %arg4: memref<2048x128xf32, #tpu.memory_space<vmem>>, %arg5: memref<2048x128xf32, #tpu.memory_space<vmem>>, %arg6: memref<1x16xi32, #tpu.memory_space<vmem>>) attributes {dimension_semantics = [], scalar_prefetch = 0 : i64, scratch_operands = 0 : i64, tpu.core_type = #tpu.core_type<tc>} {
    %get3A = arith.constant 0 : index
    %get3A_0 = arith.constant 0 : index
    %get3A_1 = vector.load %arg0[%get3A, %get3A_0] : memref<2048x768xf32, #tpu.memory_space<vmem>>, vector<2048x768xf32>
    %get3A_2 = arith.constant 0 : index
    %get3A_3 = arith.constant 0 : index
    %get3A_4 = vector.load %arg1[%get3A_2, %get3A_3] : memref<8x768xf32, #tpu.memory_space<vmem>>, vector<8x768xf32>
    %dot_general3A = arith.constant dense<0.000000e+00> : vector<2048x8xf32>
    %dot_general3A_5 = tpu.matmul %get3A_1, %get3A_4, %dot_general3A {dimension_numbers = #tpu.dot_dimension_numbers<[1], [1], [0], [0], [0, 0, 1, 0], [], []>, transpose_lhs_hint = false} : vector<2048x768xf32>, vector<8x768xf32>, vector<2048x8xf32> -> vector<2048x8xf32>
    %iota3A = tpu.iota {dimensions = array<i32: 1>} : vector<2048x8xi32>
    %reduce_max3A = arith.constant dense<0xFF800000> : vector<2048xf32>
    %reduce_max3A_6 = vector.multi_reduction <maximumf>, %dot_general3A_5, %reduce_max3A [1] : vector<2048x8xf32> to vector<2048xf32>
    %broadcast_in_dim3A = vector.shape_cast %reduce_max3A_6 : vector<2048xf32> to vector<2048x1xf32>
    %eq3A = vector.broadcast %broadcast_in_dim3A : vector<2048x1xf32> to vector<2048x8xf32>
    %eq3A_7 = arith.cmpf oeq, %dot_general3A_5, %eq3A : vector<2048x8xf32>
    %jit3A = arith.constant 8 : i32
    %broadcast_in_dim3A_8 = vector.broadcast %jit3A : i32 to vector<2048x8xi32>
    %select_n3A = arith.select %eq3A_7, %iota3A, %broadcast_in_dim3A_8 : vector<2048x8xi1>, vector<2048x8xi32>
    %reduce_min3A = arith.constant dense<2147483647> : vector<2048xi32>
    %reduce_min3A_9 = vector.multi_reduction <minsi>, %select_n3A, %reduce_min3A [1] : vector<2048x8xi32> to vector<2048xi32>
    %broadcast_in_dim3A_10 = vector.shape_cast %reduce_min3A_9 : vector<2048xi32> to vector<2048x1xi32>
    %eq3A_11 = vector.broadcast %broadcast_in_dim3A_10 : vector<2048x1xi32> to vector<2048x8xi32>
    %eq3A_12 = arith.cmpi eq, %iota3A, %eq3A_11 : vector<2048x8xi32>
    %jit3A_13 = arith.constant 0xFF800000 : f32
    %broadcast_in_dim3A_14 = vector.broadcast %jit3A_13 : f32 to vector<2048x8xf32>
    %select_n3A_15 = arith.select %eq3A_12, %broadcast_in_dim3A_14, %dot_general3A_5 : vector<2048x8xi1>, vector<2048x8xf32>
    %reduce_max3A_16 = arith.constant dense<0xFF800000> : vector<2048xf32>
    %reduce_max3A_17 = vector.multi_reduction <maximumf>, %select_n3A_15, %reduce_max3A_16 [1] : vector<2048x8xf32> to vector<2048xf32>
    %broadcast_in_dim3A_18 = vector.shape_cast %reduce_max3A_17 : vector<2048xf32> to vector<2048x1xf32>
    %eq3A_19 = vector.broadcast %broadcast_in_dim3A_18 : vector<2048x1xf32> to vector<2048x8xf32>
    %eq3A_20 = arith.cmpf oeq, %select_n3A_15, %eq3A_19 : vector<2048x8xf32>
    %jit3A_21 = arith.constant 8 : i32
    %broadcast_in_dim3A_22 = vector.broadcast %jit3A_21 : i32 to vector<2048x8xi32>
    %select_n3A_23 = arith.select %eq3A_20, %iota3A, %broadcast_in_dim3A_22 : vector<2048x8xi1>, vector<2048x8xi32>
    %reduce_min3A_24 = arith.constant dense<2147483647> : vector<2048xi32>
    %reduce_min3A_25 = vector.multi_reduction <minsi>, %select_n3A_23, %reduce_min3A_24 [1] : vector<2048x8xi32> to vector<2048xi32>
    %broadcast_in_dim3A_26 = vector.shape_cast %reduce_min3A_25 : vector<2048xi32> to vector<2048x1xi32>
    %sub3A = arith.subf %broadcast_in_dim3A_18, %broadcast_in_dim3A : vector<2048x1xf32>
    %exp3A = math.exp %sub3A : vector<2048x1xf32>
    %add3A = arith.constant 1.000000e+00 : f32
    %add3A_27 = vector.broadcast %add3A : f32 to vector<2048x1xf32>
    %add3A_28 = arith.addf %add3A_27, %exp3A : vector<2048x1xf32>
    %div3A = arith.constant 1.000000e+00 : f32
    %div3A_29 = vector.broadcast %div3A : f32 to vector<2048x1xf32>
    %div3A_30 = arith.divf %div3A_29, %add3A_28 : vector<2048x1xf32>
    %broadcast_in_dim3A_31 = arith.constant 0.000000e+00 : f32
    %broadcast_in_dim3A_32 = vector.broadcast %broadcast_in_dim3A_31 : f32 to vector<2048x128xf32>
    %add3A_33 = vector.broadcast %div3A_30 : vector<2048x1xf32> to vector<2048x128xf32>
    %add3A_34 = arith.addf %add3A_33, %broadcast_in_dim3A_32 : vector<2048x128xf32>
    %swap3A = arith.constant 0 : index
    %swap3A_35 = arith.constant 0 : index
    %swap3A_36 = vector.load %arg4[%swap3A, %swap3A_35] : memref<2048x128xf32, #tpu.memory_space<vmem>>, vector<2048x128xf32>
    tpu.vector_store %arg4[%swap3A, %swap3A_35], %add3A_34 {strides = array<i32>} : memref<2048x128xf32, #tpu.memory_space<vmem>>, vector<2048x128xf32>,
    %sub3A_37 = arith.constant 1.000000e+00 : f32
    %sub3A_38 = vector.broadcast %sub3A_37 : f32 to vector<2048x1xf32>
    %sub3A_39 = arith.subf %sub3A_38, %div3A_30 : vector<2048x1xf32>
    %add3A_40 = vector.broadcast %sub3A_39 : vector<2048x1xf32> to vector<2048x128xf32>
    %add3A_41 = arith.addf %add3A_40, %broadcast_in_dim3A_32 : vector<2048x128xf32>
    %swap3A_42 = arith.constant 0 : index
    %swap3A_43 = arith.constant 0 : index
    %swap3A_44 = vector.load %arg5[%swap3A_42, %swap3A_43] : memref<2048x128xf32, #tpu.memory_space<vmem>>, vector<2048x128xf32>
    tpu.vector_store %arg5[%swap3A_42, %swap3A_43], %add3A_41 {strides = array<i32>} : memref<2048x128xf32, #tpu.memory_space<vmem>>, vector<2048x128xf32>,
    %eq3A_45 = vector.broadcast %broadcast_in_dim3A_10 : vector<2048x1xi32> to vector<2048x8xi32>
    %eq3A_46 = arith.cmpi eq, %iota3A, %eq3A_45 : vector<2048x8xi32>
    %convert_element_type3A = arith.extui %eq3A_46 : vector<2048x8xi1> to vector<2048x8xi32>
    %convert_element_type3A_47 = arith.sitofp %convert_element_type3A : vector<2048x8xi32> to vector<2048x8xf32>
    %eq3A_48 = vector.broadcast %broadcast_in_dim3A_26 : vector<2048x1xi32> to vector<2048x8xi32>
    %eq3A_49 = arith.cmpi eq, %iota3A, %eq3A_48 : vector<2048x8xi32>
    %convert_element_type3A_50 = arith.extui %eq3A_49 : vector<2048x8xi1> to vector<2048x8xi32>
    %convert_element_type3A_51 = arith.sitofp %convert_element_type3A_50 : vector<2048x8xi32> to vector<2048x8xf32>
    %iota3A_52 = tpu.iota {dimensions = array<i32: 0>} : vector<512x512xi32>
    %iota3A_53 = tpu.iota {dimensions = array<i32: 1>} : vector<512x512xi32>
    %ge3A = arith.cmpi sge, %iota3A_52, %iota3A_53 : vector<512x512xi32>
    %convert_element_type3A_54 = arith.extui %ge3A : vector<512x512xi1> to vector<512x512xi32>
    %convert_element_type3A_55 = arith.sitofp %convert_element_type3A_54 : vector<512x512xi32> to vector<512x512xf32>
    %broadcast_in_dim3A_56 = arith.constant 0.000000e+00 : f32
    %broadcast_in_dim3A_57 = vector.broadcast %broadcast_in_dim3A_56 : f32 to vector<1x8xf32>
    %slice3A = vector.extract_strided_slice %convert_element_type3A_47 {offsets = [0, 0], sizes = [512, 8], strides = [1, 1]} : vector<2048x8xf32> to vector<512x8xf32>
    %dot_general3A_58 = arith.constant dense<0.000000e+00> : vector<512x8xf32>
    %dot_general3A_59 = tpu.matmul %convert_element_type3A_55, %slice3A, %dot_general3A_58 {dimension_numbers = #tpu.dot_dimension_numbers<[1], [0], [0], [1], [0, 0, 1, 1], [], []>, transpose_lhs_hint = false} : vector<512x512xf32>, vector<512x8xf32>, vector<512x8xf32> -> vector<512x8xf32>
    %add3A_60 = vector.broadcast %broadcast_in_dim3A_57 : vector<1x8xf32> to vector<512x8xf32>
    %add3A_61 = arith.addf %dot_general3A_59, %add3A_60 : vector<512x8xf32>
    %mul3A = arith.mulf %add3A_61, %slice3A : vector<512x8xf32>
    %reduce_sum3A = arith.constant dense<0.000000e+00> : vector<512xf32>
    %reduce_sum3A_62 = vector.multi_reduction <add>, %mul3A, %reduce_sum3A [1] : vector<512x8xf32> to vector<512xf32>
    %broadcast_in_dim3A_63 = vector.shape_cast %reduce_sum3A_62 : vector<512xf32> to vector<512x1xf32>
    %sub3A_64 = arith.constant 1.000000e+00 : f32
    %sub3A_65 = vector.broadcast %sub3A_64 : f32 to vector<512x1xf32>
    %sub3A_66 = arith.subf %broadcast_in_dim3A_63, %sub3A_65 : vector<512x1xf32>
    %reduce_sum3A_67 = arith.constant dense<0.000000e+00> : vector<8xf32>
    %reduce_sum3A_68 = vector.multi_reduction <add>, %slice3A, %reduce_sum3A_67 [0] : vector<512x8xf32> to vector<8xf32>
    %broadcast_in_dim3A_69 = vector.shape_cast %reduce_sum3A_68 : vector<8xf32> to vector<1x8xf32>
    %add3A_70 = arith.addf %broadcast_in_dim3A_57, %broadcast_in_dim3A_69 : vector<1x8xf32>
    %slice3A_71 = vector.extract_strided_slice %convert_element_type3A_47 {offsets = [512, 0], sizes = [512, 8], strides = [1, 1]} : vector<2048x8xf32> to vector<512x8xf32>
    %dot_general3A_72 = arith.constant dense<0.000000e+00> : vector<512x8xf32>
    %dot_general3A_73 = tpu.matmul %convert_element_type3A_55, %slice3A_71, %dot_general3A_72 {dimension_numbers = #tpu.dot_dimension_numbers<[1], [0], [0], [1], [0, 0, 1, 1], [], []>, transpose_lhs_hint = false} : vector<512x512xf32>, vector<512x8xf32>, vector<512x8xf32> -> vector<512x8xf32>
    %add3A_74 = vector.broadcast %add3A_70 : vector<1x8xf32> to vector<512x8xf32>
    %add3A_75 = arith.addf %dot_general3A_73, %add3A_74 : vector<512x8xf32>
    %mul3A_76 = arith.mulf %add3A_75, %slice3A_71 : vector<512x8xf32>
    %reduce_sum3A_77 = arith.constant dense<0.000000e+00> : vector<512xf32>
    %reduce_sum3A_78 = vector.multi_reduction <add>, %mul3A_76, %reduce_sum3A_77 [1] : vector<512x8xf32> to vector<512xf32>
    %broadcast_in_dim3A_79 = vector.shape_cast %reduce_sum3A_78 : vector<512xf32> to vector<512x1xf32>
    %sub3A_80 = arith.constant 1.000000e+00 : f32
    %sub3A_81 = vector.broadcast %sub3A_80 : f32 to vector<512x1xf32>
    %sub3A_82 = arith.subf %broadcast_in_dim3A_79, %sub3A_81 : vector<512x1xf32>
    %reduce_sum3A_83 = arith.constant dense<0.000000e+00> : vector<8xf32>
    %reduce_sum3A_84 = vector.multi_reduction <add>, %slice3A_71, %reduce_sum3A_83 [0] : vector<512x8xf32> to vector<8xf32>
    %broadcast_in_dim3A_85 = vector.shape_cast %reduce_sum3A_84 : vector<8xf32> to vector<1x8xf32>
    %add3A_86 = arith.addf %add3A_70, %broadcast_in_dim3A_85 : vector<1x8xf32>
    %slice3A_87 = vector.extract_strided_slice %convert_element_type3A_47 {offsets = [1024, 0], sizes = [512, 8], strides = [1, 1]} : vector<2048x8xf32> to vector<512x8xf32>
    %dot_general3A_88 = arith.constant dense<0.000000e+00> : vector<512x8xf32>
    %dot_general3A_89 = tpu.matmul %convert_element_type3A_55, %slice3A_87, %dot_general3A_88 {dimension_numbers = #tpu.dot_dimension_numbers<[1], [0], [0], [1], [0, 0, 1, 1], [], []>, transpose_lhs_hint = false} : vector<512x512xf32>, vector<512x8xf32>, vector<512x8xf32> -> vector<512x8xf32>
    %add3A_90 = vector.broadcast %add3A_86 : vector<1x8xf32> to vector<512x8xf32>
    %add3A_91 = arith.addf %dot_general3A_89, %add3A_90 : vector<512x8xf32>
    %mul3A_92 = arith.mulf %add3A_91, %slice3A_87 : vector<512x8xf32>
    %reduce_sum3A_93 = arith.constant dense<0.000000e+00> : vector<512xf32>
    %reduce_sum3A_94 = vector.multi_reduction <add>, %mul3A_92, %reduce_sum3A_93 [1] : vector<512x8xf32> to vector<512xf32>
    %broadcast_in_dim3A_95 = vector.shape_cast %reduce_sum3A_94 : vector<512xf32> to vector<512x1xf32>
    %sub3A_96 = arith.constant 1.000000e+00 : f32
    %sub3A_97 = vector.broadcast %sub3A_96 : f32 to vector<512x1xf32>
    %sub3A_98 = arith.subf %broadcast_in_dim3A_95, %sub3A_97 : vector<512x1xf32>
    %reduce_sum3A_99 = arith.constant dense<0.000000e+00> : vector<8xf32>
    %reduce_sum3A_100 = vector.multi_reduction <add>, %slice3A_87, %reduce_sum3A_99 [0] : vector<512x8xf32> to vector<8xf32>
    %broadcast_in_dim3A_101 = vector.shape_cast %reduce_sum3A_100 : vector<8xf32> to vector<1x8xf32>
    %add3A_102 = arith.addf %add3A_86, %broadcast_in_dim3A_101 : vector<1x8xf32>
    %slice3A_103 = vector.extract_strided_slice %convert_element_type3A_47 {offsets = [1536, 0], sizes = [512, 8], strides = [1, 1]} : vector<2048x8xf32> to vector<512x8xf32>
    %dot_general3A_104 = arith.constant dense<0.000000e+00> : vector<512x8xf32>
    %dot_general3A_105 = tpu.matmul %convert_element_type3A_55, %slice3A_103, %dot_general3A_104 {dimension_numbers = #tpu.dot_dimension_numbers<[1], [0], [0], [1], [0, 0, 1, 1], [], []>, transpose_lhs_hint = false} : vector<512x512xf32>, vector<512x8xf32>, vector<512x8xf32> -> vector<512x8xf32>
    %add3A_106 = vector.broadcast %add3A_102 : vector<1x8xf32> to vector<512x8xf32>
    %add3A_107 = arith.addf %dot_general3A_105, %add3A_106 : vector<512x8xf32>
    %mul3A_108 = arith.mulf %add3A_107, %slice3A_103 : vector<512x8xf32>
    %reduce_sum3A_109 = arith.constant dense<0.000000e+00> : vector<512xf32>
    %reduce_sum3A_110 = vector.multi_reduction <add>, %mul3A_108, %reduce_sum3A_109 [1] : vector<512x8xf32> to vector<512xf32>
    %broadcast_in_dim3A_111 = vector.shape_cast %reduce_sum3A_110 : vector<512xf32> to vector<512x1xf32>
    %sub3A_112 = arith.constant 1.000000e+00 : f32
    %sub3A_113 = vector.broadcast %sub3A_112 : f32 to vector<512x1xf32>
    %sub3A_114 = arith.subf %broadcast_in_dim3A_111, %sub3A_113 : vector<512x1xf32>
    %reduce_sum3A_115 = arith.constant dense<0.000000e+00> : vector<8xf32>
    %reduce_sum3A_116 = vector.multi_reduction <add>, %slice3A_103, %reduce_sum3A_115 [0] : vector<512x8xf32> to vector<8xf32>
    %broadcast_in_dim3A_117 = vector.shape_cast %reduce_sum3A_116 : vector<8xf32> to vector<1x8xf32>
    %add3A_118 = arith.addf %add3A_102, %broadcast_in_dim3A_117 : vector<1x8xf32>
    %slice3A_119 = vector.extract_strided_slice %convert_element_type3A_51 {offsets = [0, 0], sizes = [512, 8], strides = [1, 1]} : vector<2048x8xf32> to vector<512x8xf32>
    %dot_general3A_120 = arith.constant dense<0.000000e+00> : vector<512x8xf32>
    %dot_general3A_121 = tpu.matmul %convert_element_type3A_55, %slice3A_119, %dot_general3A_120 {dimension_numbers = #tpu.dot_dimension_numbers<[1], [0], [0], [1], [0, 0, 1, 1], [], []>, transpose_lhs_hint = false} : vector<512x512xf32>, vector<512x8xf32>, vector<512x8xf32> -> vector<512x8xf32>
    %add3A_122 = vector.broadcast %add3A_118 : vector<1x8xf32> to vector<512x8xf32>
    %add3A_123 = arith.addf %dot_general3A_121, %add3A_122 : vector<512x8xf32>
    %mul3A_124 = arith.mulf %add3A_123, %slice3A_119 : vector<512x8xf32>
    %reduce_sum3A_125 = arith.constant dense<0.000000e+00> : vector<512xf32>
    %reduce_sum3A_126 = vector.multi_reduction <add>, %mul3A_124, %reduce_sum3A_125 [1] : vector<512x8xf32> to vector<512xf32>
    %broadcast_in_dim3A_127 = vector.shape_cast %reduce_sum3A_126 : vector<512xf32> to vector<512x1xf32>
    %sub3A_128 = arith.constant 1.000000e+00 : f32
    %sub3A_129 = vector.broadcast %sub3A_128 : f32 to vector<512x1xf32>
    %sub3A_130 = arith.subf %broadcast_in_dim3A_127, %sub3A_129 : vector<512x1xf32>
    %reduce_sum3A_131 = arith.constant dense<0.000000e+00> : vector<8xf32>
    %reduce_sum3A_132 = vector.multi_reduction <add>, %slice3A_119, %reduce_sum3A_131 [0] : vector<512x8xf32> to vector<8xf32>
    %broadcast_in_dim3A_133 = vector.shape_cast %reduce_sum3A_132 : vector<8xf32> to vector<1x8xf32>
    %add3A_134 = arith.addf %add3A_118, %broadcast_in_dim3A_133 : vector<1x8xf32>
    %slice3A_135 = vector.extract_strided_slice %convert_element_type3A_51 {offsets = [512, 0], sizes = [512, 8], strides = [1, 1]} : vector<2048x8xf32> to vector<512x8xf32>
    %dot_general3A_136 = arith.constant dense<0.000000e+00> : vector<512x8xf32>
    %dot_general3A_137 = tpu.matmul %convert_element_type3A_55, %slice3A_135, %dot_general3A_136 {dimension_numbers = #tpu.dot_dimension_numbers<[1], [0], [0], [1], [0, 0, 1, 1], [], []>, transpose_lhs_hint = false} : vector<512x512xf32>, vector<512x8xf32>, vector<512x8xf32> -> vector<512x8xf32>
    %add3A_138 = vector.broadcast %add3A_134 : vector<1x8xf32> to vector<512x8xf32>
    %add3A_139 = arith.addf %dot_general3A_137, %add3A_138 : vector<512x8xf32>
    %mul3A_140 = arith.mulf %add3A_139, %slice3A_135 : vector<512x8xf32>
    %reduce_sum3A_141 = arith.constant dense<0.000000e+00> : vector<512xf32>
    %reduce_sum3A_142 = vector.multi_reduction <add>, %mul3A_140, %reduce_sum3A_141 [1] : vector<512x8xf32> to vector<512xf32>
    %broadcast_in_dim3A_143 = vector.shape_cast %reduce_sum3A_142 : vector<512xf32> to vector<512x1xf32>
    %sub3A_144 = arith.constant 1.000000e+00 : f32
    %sub3A_145 = vector.broadcast %sub3A_144 : f32 to vector<512x1xf32>
    %sub3A_146 = arith.subf %broadcast_in_dim3A_143, %sub3A_145 : vector<512x1xf32>
    %reduce_sum3A_147 = arith.constant dense<0.000000e+00> : vector<8xf32>
    %reduce_sum3A_148 = vector.multi_reduction <add>, %slice3A_135, %reduce_sum3A_147 [0] : vector<512x8xf32> to vector<8xf32>
    %broadcast_in_dim3A_149 = vector.shape_cast %reduce_sum3A_148 : vector<8xf32> to vector<1x8xf32>
    %add3A_150 = arith.addf %add3A_134, %broadcast_in_dim3A_149 : vector<1x8xf32>
    %slice3A_151 = vector.extract_strided_slice %convert_element_type3A_51 {offsets = [1024, 0], sizes = [512, 8], strides = [1, 1]} : vector<2048x8xf32> to vector<512x8xf32>
    %dot_general3A_152 = arith.constant dense<0.000000e+00> : vector<512x8xf32>
    %dot_general3A_153 = tpu.matmul %convert_element_type3A_55, %slice3A_151, %dot_general3A_152 {dimension_numbers = #tpu.dot_dimension_numbers<[1], [0], [0], [1], [0, 0, 1, 1], [], []>, transpose_lhs_hint = false} : vector<512x512xf32>, vector<512x8xf32>, vector<512x8xf32> -> vector<512x8xf32>
    %add3A_154 = vector.broadcast %add3A_150 : vector<1x8xf32> to vector<512x8xf32>
    %add3A_155 = arith.addf %dot_general3A_153, %add3A_154 : vector<512x8xf32>
    %mul3A_156 = arith.mulf %add3A_155, %slice3A_151 : vector<512x8xf32>
    %reduce_sum3A_157 = arith.constant dense<0.000000e+00> : vector<512xf32>
    %reduce_sum3A_158 = vector.multi_reduction <add>, %mul3A_156, %reduce_sum3A_157 [1] : vector<512x8xf32> to vector<512xf32>
    %broadcast_in_dim3A_159 = vector.shape_cast %reduce_sum3A_158 : vector<512xf32> to vector<512x1xf32>
    %sub3A_160 = arith.constant 1.000000e+00 : f32
    %sub3A_161 = vector.broadcast %sub3A_160 : f32 to vector<512x1xf32>
    %sub3A_162 = arith.subf %broadcast_in_dim3A_159, %sub3A_161 : vector<512x1xf32>
    %reduce_sum3A_163 = arith.constant dense<0.000000e+00> : vector<8xf32>
    %reduce_sum3A_164 = vector.multi_reduction <add>, %slice3A_151, %reduce_sum3A_163 [0] : vector<512x8xf32> to vector<8xf32>
    %broadcast_in_dim3A_165 = vector.shape_cast %reduce_sum3A_164 : vector<8xf32> to vector<1x8xf32>
    %add3A_166 = arith.addf %add3A_150, %broadcast_in_dim3A_165 : vector<1x8xf32>
    %slice3A_167 = vector.extract_strided_slice %convert_element_type3A_51 {offsets = [1536, 0], sizes = [512, 8], strides = [1, 1]} : vector<2048x8xf32> to vector<512x8xf32>
    %dot_general3A_168 = arith.constant dense<0.000000e+00> : vector<512x8xf32>
    %dot_general3A_169 = tpu.matmul %convert_element_type3A_55, %slice3A_167, %dot_general3A_168 {dimension_numbers = #tpu.dot_dimension_numbers<[1], [0], [0], [1], [0, 0, 1, 1], [], []>, transpose_lhs_hint = false} : vector<512x512xf32>, vector<512x8xf32>, vector<512x8xf32> -> vector<512x8xf32>
    %add3A_170 = vector.broadcast %add3A_166 : vector<1x8xf32> to vector<512x8xf32>
    %add3A_171 = arith.addf %dot_general3A_169, %add3A_170 : vector<512x8xf32>
    %mul3A_172 = arith.mulf %add3A_171, %slice3A_167 : vector<512x8xf32>
    %reduce_sum3A_173 = arith.constant dense<0.000000e+00> : vector<512xf32>
    %reduce_sum3A_174 = vector.multi_reduction <add>, %mul3A_172, %reduce_sum3A_173 [1] : vector<512x8xf32> to vector<512xf32>
    %broadcast_in_dim3A_175 = vector.shape_cast %reduce_sum3A_174 : vector<512xf32> to vector<512x1xf32>
    %sub3A_176 = arith.constant 1.000000e+00 : f32
    %sub3A_177 = vector.broadcast %sub3A_176 : f32 to vector<512x1xf32>
    %sub3A_178 = arith.subf %broadcast_in_dim3A_175, %sub3A_177 : vector<512x1xf32>
    %reduce_sum3A_179 = arith.constant dense<0.000000e+00> : vector<8xf32>
    %reduce_sum3A_180 = vector.multi_reduction <add>, %slice3A_167, %reduce_sum3A_179 [0] : vector<512x8xf32> to vector<8xf32>
    %broadcast_in_dim3A_181 = vector.shape_cast %reduce_sum3A_180 : vector<8xf32> to vector<1x8xf32>
    %add3A_182 = arith.addf %add3A_166, %broadcast_in_dim3A_181 : vector<1x8xf32>
    %convert_element_type3A_183 = arith.fptosi %add3A_182 : vector<1x8xf32> to vector<1x8xi32>
    %add3A_184 = arith.constant 512 : i32
    %add3A_185 = vector.broadcast %add3A_184 : i32 to vector<1x8xi32>
    %add3A_186 = arith.addi %convert_element_type3A_183, %add3A_185 : vector<1x8xi32>
    %sub3A_187 = arith.constant 1 : i32
    %sub3A_188 = vector.broadcast %sub3A_187 : i32 to vector<1x8xi32>
    %sub3A_189 = arith.subi %add3A_186, %sub3A_188 : vector<1x8xi32>
    %jit3A_190 = arith.constant 512 : i32
    %div3A_191 = vector.broadcast %jit3A_190 : i32 to vector<1x8xi32>
    %div3A_192 = arith.divsi %sub3A_189, %div3A_191 : vector<1x8xi32>
    %sign3A = arith.constant 0 : i32
    %sign3A_193 = vector.broadcast %sign3A : i32 to vector<1x8xi32>
    %sign3A_194 = arith.cmpi sgt, %sub3A_189, %sign3A_193 : vector<1x8xi32>
    %sign3A_195 = arith.extui %sign3A_194 : vector<1x8xi1> to vector<1x8xi32>
    %sign3A_196 = arith.constant 0 : i32
    %sign3A_197 = vector.broadcast %sign3A_196 : i32 to vector<1x8xi32>
    %sign3A_198 = arith.cmpi slt, %sub3A_189, %sign3A_197 : vector<1x8xi32>
    %sign3A_199 = arith.extui %sign3A_198 : vector<1x8xi1> to vector<1x8xi32>
    %sign3A_200 = arith.subi %sign3A_195, %sign3A_199 : vector<1x8xi32>
    %sign3A_201 = arith.constant 0 : i32
    %sign3A_202 = arith.cmpi sgt, %jit3A_190, %sign3A_201 : i32
    %sign3A_203 = arith.extui %sign3A_202 : i1 to i32
    %sign3A_204 = arith.constant 0 : i32
    %sign3A_205 = arith.cmpi slt, %jit3A_190, %sign3A_204 : i32
    %sign3A_206 = arith.extui %sign3A_205 : i1 to i32
    %sign3A_207 = arith.subi %sign3A_203, %sign3A_206 : i32
    %ne3A = vector.broadcast %sign3A_207 : i32 to vector<1x8xi32>
    %ne3A_208 = arith.cmpi ne, %sign3A_200, %ne3A : vector<1x8xi32>
    %rem3A = vector.broadcast %jit3A_190 : i32 to vector<1x8xi32>
    %rem3A_209 = arith.remsi %sub3A_189, %rem3A : vector<1x8xi32>
    %ne3A_210 = arith.constant 0 : i32
    %ne3A_211 = vector.broadcast %ne3A_210 : i32 to vector<1x8xi32>
    %ne3A_212 = arith.cmpi ne, %rem3A_209, %ne3A_211 : vector<1x8xi32>
    %and3A = arith.andi %ne3A_208, %ne3A_212 : vector<1x8xi1>
    %sub3A_213 = arith.constant 1 : i32
    %sub3A_214 = vector.broadcast %sub3A_213 : i32 to vector<1x8xi32>
    %sub3A_215 = arith.subi %div3A_192, %sub3A_214 : vector<1x8xi32>
    %select_n3A_216 = arith.select %and3A, %sub3A_215, %div3A_192 : vector<1x8xi1>, vector<1x8xi32>
    %mul3A_217 = arith.constant 512 : i32
    %mul3A_218 = vector.broadcast %mul3A_217 : i32 to vector<1x8xi32>
    %mul3A_219 = arith.muli %select_n3A_216, %mul3A_218 : vector<1x8xi32>
    %convert_element_type3A_220 = arith.sitofp %mul3A_219 : vector<1x8xi32> to vector<1x8xf32>
    %iota3A_221 = tpu.iota {dimensions = array<i32: 0>} : vector<8x8xi32>
    %iota3A_222 = tpu.iota {dimensions = array<i32: 1>} : vector<8x8xi32>
    %lt3A = arith.cmpi slt, %iota3A_221, %iota3A_222 : vector<8x8xi32>
    %convert_element_type3A_223 = arith.extui %lt3A : vector<8x8xi1> to vector<8x8xi32>
    %convert_element_type3A_224 = arith.sitofp %convert_element_type3A_223 : vector<8x8xi32> to vector<8x8xf32>
    %dot_general3A_225 = arith.constant dense<0.000000e+00> : vector<1x8xf32>
    %dot_general3A_226 = tpu.matmul %convert_element_type3A_220, %convert_element_type3A_224, %dot_general3A_225 {dimension_numbers = #tpu.dot_dimension_numbers<[1], [0], [0], [1], [0, 0, 1, 1], [], []>, transpose_lhs_hint = false} : vector<1x8xf32>, vector<8x8xf32>, vector<1x8xf32> -> vector<1x8xf32>
    %mul3A_227 = vector.broadcast %dot_general3A_226 : vector<1x8xf32> to vector<2048x8xf32>
    %mul3A_228 = arith.mulf %mul3A_227, %convert_element_type3A_47 : vector<2048x8xf32>
    %reduce_sum3A_229 = arith.constant dense<0.000000e+00> : vector<2048xf32>
    %reduce_sum3A_230 = vector.multi_reduction <add>, %mul3A_228, %reduce_sum3A_229 [1] : vector<2048x8xf32> to vector<2048xf32>
    %broadcast_in_dim3A_231 = vector.shape_cast %reduce_sum3A_230 : vector<2048xf32> to vector<2048x1xf32>
    %mul3A_232 = vector.broadcast %dot_general3A_226 : vector<1x8xf32> to vector<2048x8xf32>
    %mul3A_233 = arith.mulf %mul3A_232, %convert_element_type3A_51 : vector<2048x8xf32>
    %reduce_sum3A_234 = arith.constant dense<0.000000e+00> : vector<2048xf32>
    %reduce_sum3A_235 = vector.multi_reduction <add>, %mul3A_233, %reduce_sum3A_234 [1] : vector<2048x8xf32> to vector<2048xf32>
    %broadcast_in_dim3A_236 = vector.shape_cast %reduce_sum3A_235 : vector<2048xf32> to vector<2048x1xf32>
    %concatenate3A = tpu.concatenate %sub3A_66, %sub3A_82, %sub3A_98, %sub3A_114, %sub3A_130, %sub3A_146, %sub3A_162, %sub3A_178 in 0 : vector<512x1xf32>, vector<512x1xf32>, vector<512x1xf32>, vector<512x1xf32>, vector<512x1xf32>, vector<512x1xf32>, vector<512x1xf32>, vector<512x1xf32> -> vector<4096x1xf32>
    %slice3A_237 = vector.extract_strided_slice %concatenate3A {offsets = [0, 0], sizes = [2048, 1], strides = [1, 1]} : vector<4096x1xf32> to vector<2048x1xf32>
    %add3A_238 = arith.addf %broadcast_in_dim3A_231, %slice3A_237 : vector<2048x1xf32>
    %convert_element_type3A_239 = arith.fptosi %add3A_238 : vector<2048x1xf32> to vector<2048x1xi32>
    %swap3A_240 = arith.constant 0 : index
    %swap3A_241 = arith.constant 0 : index
    %swap3A_242 = vector.load %arg2[%swap3A_240, %swap3A_241] : memref<2048x1xi32, #tpu.memory_space<vmem>>, vector<2048x1xi32>
    tpu.vector_store %arg2[%swap3A_240, %swap3A_241], %convert_element_type3A_239 {strides = array<i32>} : memref<2048x1xi32, #tpu.memory_space<vmem>>, vector<2048x1xi32>,
    %slice3A_243 = vector.extract_strided_slice %concatenate3A {offsets = [2048, 0], sizes = [2048, 1], strides = [1, 1]} : vector<4096x1xf32> to vector<2048x1xf32>
    %add3A_244 = arith.addf %broadcast_in_dim3A_236, %slice3A_243 : vector<2048x1xf32>
    %convert_element_type3A_245 = arith.fptosi %add3A_244 : vector<2048x1xf32> to vector<2048x1xi32>
    %swap3A_246 = arith.constant 0 : index
    %swap3A_247 = arith.constant 0 : index
    %swap3A_248 = vector.load %arg3[%swap3A_246, %swap3A_247] : memref<2048x1xi32, #tpu.memory_space<vmem>>, vector<2048x1xi32>
    tpu.vector_store %arg3[%swap3A_246, %swap3A_247], %convert_element_type3A_245 {strides = array<i32>} : memref<2048x1xi32, #tpu.memory_space<vmem>>, vector<2048x1xi32>,
    %add3A_249 = arith.addf %dot_general3A_226, %convert_element_type3A_220 : vector<1x8xf32>
    %eq3A_250 = arith.cmpi eq, %iota3A_221, %iota3A_222 : vector<8x8xi32>
    %convert_element_type3A_251 = arith.extui %eq3A_250 : vector<8x8xi1> to vector<8x8xi32>
    %convert_element_type3A_252 = arith.sitofp %convert_element_type3A_251 : vector<8x8xi32> to vector<8x8xf32>
    %dot_general3A_253 = arith.constant dense<0.000000e+00> : vector<8x1xf32>
    %dot_general3A_254 = tpu.matmul %convert_element_type3A_252, %add3A_249, %dot_general3A_253 {dimension_numbers = #tpu.dot_dimension_numbers<[1], [1], [0], [0], [0, 0, 1, 0], [], []>, transpose_lhs_hint = false} : vector<8x8xf32>, vector<1x8xf32>, vector<8x1xf32> -> vector<8x1xf32>
    %iota3A_255 = tpu.iota {dimensions = array<i32: 1>} : vector<1x16xi32>
    %mul3A_256 = arith.constant 512 : i32
    %mul3A_257 = vector.broadcast %mul3A_256 : i32 to vector<1x16xi32>
    %mul3A_258 = arith.muli %iota3A_255, %mul3A_257 : vector<1x16xi32>
    %convert_element_type3A_259 = arith.sitofp %mul3A_258 : vector<1x16xi32> to vector<1x16xf32>
    %ge3A_260 = vector.broadcast %convert_element_type3A_259 : vector<1x16xf32> to vector<8x16xf32>
    %ge3A_261 = vector.broadcast %dot_general3A_254 : vector<8x1xf32> to vector<8x16xf32>
    %ge3A_262 = arith.cmpf oge, %ge3A_260, %ge3A_261 : vector<8x16xf32>
    %convert_element_type3A_263 = arith.extui %ge3A_262 : vector<8x16xi1> to vector<8x16xi32>
    %reduce_sum3A_264 = arith.constant dense<0> : vector<16xi32>
    %reduce_sum3A_265 = vector.multi_reduction <add>, %convert_element_type3A_263, %reduce_sum3A_264 [0] : vector<8x16xi32> to vector<16xi32>
    %broadcast_in_dim3A_266 = vector.shape_cast %reduce_sum3A_265 : vector<16xi32> to vector<1x16xi32>
    %min3A = arith.constant 7 : i32
    %min3A_267 = vector.broadcast %min3A : i32 to vector<1x16xi32>
    %min3A_268 = arith.minsi %broadcast_in_dim3A_266, %min3A_267 : vector<1x16xi32>
    %swap3A_269 = arith.constant 0 : index
    %swap3A_270 = arith.constant 0 : index
    %swap3A_271 = vector.load %arg6[%swap3A_269, %swap3A_270] : memref<1x16xi32, #tpu.memory_space<vmem>>, vector<1x16xi32>
    tpu.vector_store %arg6[%swap3A_269, %swap3A_270], %min3A_268 {strides = array<i32>} : memref<1x16xi32, #tpu.memory_space<vmem>>, vector<1x16xi32>,
    return
  }
}

module attributes {stable_mosaic.version = 14 : i64} {
  func.func @_gffn_body(%arg0: i32, %arg1: memref<16xi32, #tpu.memory_space<smem>>, %arg2: memref<512x768xf32, #tpu.memory_space<vmem>>, %arg3: memref<1x1024x768xf32, #tpu.memory_space<vmem>>, %arg4: memref<1x1024x768xf32, #tpu.memory_space<vmem>>, %arg5: memref<1x768x1024xf32, #tpu.memory_space<vmem>>, %arg6: memref<512x128xf32, #tpu.memory_space<vmem>>, %arg7: memref<512x768xf32, #tpu.memory_space<vmem>>) attributes {dimension_semantics = [#tpu.dimension_semantics<arbitrary>], iteration_bounds = array<i64: 16>, scalar_prefetch = 1 : i64, scratch_operands = 0 : i64, tpu.core_type = #tpu.core_type<tc>, window_params = [{transform_indices = @transform_0, window_bounds = array<i64: 512, 768>}, {transform_indices = @transform_1, window_bounds = array<i64: 1, 1024, 768>}, {transform_indices = @transform_2, window_bounds = array<i64: 1, 1024, 768>}, {transform_indices = @transform_3, window_bounds = array<i64: 1, 768, 1024>}, {transform_indices = @transform_4, window_bounds = array<i64: 512, 128>}, {transform_indices = @transform_5, window_bounds = array<i64: 512, 768>}]} {
    %get3A = arith.constant 0 : index
    %get3A_0 = arith.constant 0 : index
    %get3A_1 = vector.load %arg2[%get3A, %get3A_0] : memref<512x768xf32, #tpu.memory_space<vmem>>, vector<512x768xf32>
    %convert_element_type3A = arith.truncf %get3A_1 : vector<512x768xf32> to vector<512x768xbf16>
    %get3A_2 = arith.constant 0 : index
    %get3A_3 = arith.constant 0 : index
    %get3A_4 = arith.constant 0 : index
    %get3A_5 = vector.load %arg3[%get3A_2, %get3A_3, %get3A_4] : memref<1x1024x768xf32, #tpu.memory_space<vmem>>, vector<1x1024x768xf32>
    %get3A_6 = vector.shape_cast %get3A_5 : vector<1x1024x768xf32> to vector<1024x768xf32>
    %convert_element_type3A_7 = arith.truncf %get3A_6 : vector<1024x768xf32> to vector<1024x768xbf16>
    %dot_general3A = arith.constant dense<0.000000e+00> : vector<512x1024xf32>
    %dot_general3A_8 = tpu.matmul %convert_element_type3A, %convert_element_type3A_7, %dot_general3A {dimension_numbers = #tpu.dot_dimension_numbers<[1], [1], [0], [0], [0, 0, 1, 0], [], []>, transpose_lhs_hint = false} : vector<512x768xbf16>, vector<1024x768xbf16>, vector<512x1024xf32> -> vector<512x1024xf32>
    %get3A_9 = arith.constant 0 : index
    %get3A_10 = arith.constant 0 : index
    %get3A_11 = arith.constant 0 : index
    %get3A_12 = vector.load %arg4[%get3A_9, %get3A_10, %get3A_11] : memref<1x1024x768xf32, #tpu.memory_space<vmem>>, vector<1x1024x768xf32>
    %get3A_13 = vector.shape_cast %get3A_12 : vector<1x1024x768xf32> to vector<1024x768xf32>
    %convert_element_type3A_14 = arith.truncf %get3A_13 : vector<1024x768xf32> to vector<1024x768xbf16>
    %dot_general3A_15 = arith.constant dense<0.000000e+00> : vector<512x1024xf32>
    %dot_general3A_16 = tpu.matmul %convert_element_type3A, %convert_element_type3A_14, %dot_general3A_15 {dimension_numbers = #tpu.dot_dimension_numbers<[1], [1], [0], [0], [0, 0, 1, 0], [], []>, transpose_lhs_hint = false} : vector<512x768xbf16>, vector<1024x768xbf16>, vector<512x1024xf32> -> vector<512x1024xf32>
    %neg3A = arith.constant 0.000000e+00 : f32
    %neg3A_17 = vector.broadcast %neg3A : f32 to vector<512x1024xf32>
    %neg3A_18 = arith.subf %neg3A_17, %dot_general3A_16 : vector<512x1024xf32>
    %exp3A = math.exp %neg3A_18 : vector<512x1024xf32>
    %add3A = arith.constant 1.000000e+00 : f32
    %add3A_19 = vector.broadcast %add3A : f32 to vector<512x1024xf32>
    %add3A_20 = arith.addf %add3A_19, %exp3A : vector<512x1024xf32>
    %div3A = arith.divf %dot_general3A_16, %add3A_20 : vector<512x1024xf32>
    %mul3A = arith.mulf %dot_general3A_8, %div3A : vector<512x1024xf32>
    %get3A_21 = arith.constant 0 : index
    %get3A_22 = arith.constant 0 : index
    %get3A_23 = vector.load %arg6[%get3A_21, %get3A_22] : memref<512x128xf32, #tpu.memory_space<vmem>>, vector<512x1xf32>
    %mul3A_24 = vector.broadcast %get3A_23 : vector<512x1xf32> to vector<512x1024xf32>
    %mul3A_25 = arith.mulf %mul3A, %mul3A_24 : vector<512x1024xf32>
    %convert_element_type3A_26 = arith.truncf %mul3A_25 : vector<512x1024xf32> to vector<512x1024xbf16>
    %get3A_27 = arith.constant 0 : index
    %get3A_28 = arith.constant 0 : index
    %get3A_29 = arith.constant 0 : index
    %get3A_30 = vector.load %arg5[%get3A_27, %get3A_28, %get3A_29] : memref<1x768x1024xf32, #tpu.memory_space<vmem>>, vector<1x768x1024xf32>
    %get3A_31 = vector.shape_cast %get3A_30 : vector<1x768x1024xf32> to vector<768x1024xf32>
    %convert_element_type3A_32 = arith.truncf %get3A_31 : vector<768x1024xf32> to vector<768x1024xbf16>
    %dot_general3A_33 = arith.constant dense<0.000000e+00> : vector<512x768xf32>
    %dot_general3A_34 = tpu.matmul %convert_element_type3A_26, %convert_element_type3A_32, %dot_general3A_33 {dimension_numbers = #tpu.dot_dimension_numbers<[1], [1], [0], [0], [0, 0, 1, 0], [], []>, transpose_lhs_hint = false} : vector<512x1024xbf16>, vector<768x1024xbf16>, vector<512x768xf32> -> vector<512x768xf32>
    %swap3A = arith.constant 0 : index
    %swap3A_35 = arith.constant 0 : index
    %swap3A_36 = vector.load %arg7[%swap3A, %swap3A_35] : memref<512x768xf32, #tpu.memory_space<vmem>>, vector<512x768xf32>
    tpu.vector_store %arg7[%swap3A, %swap3A_35], %dot_general3A_34 {strides = array<i32>} : memref<512x768xf32, #tpu.memory_space<vmem>>, vector<512x768xf32>,
    return
  }
  func.func @transform_0(%arg0: i32, %arg1: memref<16xi32, #tpu.memory_space<smem>>) -> (i32, i32) {
    %c0_i32 = arith.constant 0 : i32
    %c0_i32_0 = arith.constant 0 : i32
    return %arg0, %c0_i32 : i32, i32
  }
  func.func @transform_1(%arg0: i32, %arg1: memref<16xi32, #tpu.memory_space<smem>>) -> (i32, i32, i32) {
    %get3A = arith.index_cast %arg0 : i32 to index
    %get3A_0 = memref.load %arg1[%get3A] : memref<16xi32, #tpu.memory_space<smem>>
    %c0_i32 = arith.constant 0 : i32
    %c0_i32_1 = arith.constant 0 : i32
    %c0_i32_2 = arith.constant 0 : i32
    return %get3A_0, %c0_i32, %c0_i32_1 : i32, i32, i32
  }
  func.func @transform_2(%arg0: i32, %arg1: memref<16xi32, #tpu.memory_space<smem>>) -> (i32, i32, i32) {
    %get3A = arith.index_cast %arg0 : i32 to index
    %get3A_0 = memref.load %arg1[%get3A] : memref<16xi32, #tpu.memory_space<smem>>
    %c0_i32 = arith.constant 0 : i32
    %c0_i32_1 = arith.constant 0 : i32
    %c0_i32_2 = arith.constant 0 : i32
    return %get3A_0, %c0_i32, %c0_i32_1 : i32, i32, i32
  }
  func.func @transform_3(%arg0: i32, %arg1: memref<16xi32, #tpu.memory_space<smem>>) -> (i32, i32, i32) {
    %get3A = arith.index_cast %arg0 : i32 to index
    %get3A_0 = memref.load %arg1[%get3A] : memref<16xi32, #tpu.memory_space<smem>>
    %c0_i32 = arith.constant 0 : i32
    %c0_i32_1 = arith.constant 0 : i32
    %c0_i32_2 = arith.constant 0 : i32
    return %get3A_0, %c0_i32, %c0_i32_1 : i32, i32, i32
  }
  func.func @transform_4(%arg0: i32, %arg1: memref<16xi32, #tpu.memory_space<smem>>) -> (i32, i32) {
    %c0_i32 = arith.constant 0 : i32
    %c0_i32_0 = arith.constant 0 : i32
    return %arg0, %c0_i32 : i32, i32
  }
  func.func @transform_5(%arg0: i32, %arg1: memref<16xi32, #tpu.memory_space<smem>>) -> (i32, i32) {
    %c0_i32 = arith.constant 0 : i32
    %c0_i32_0 = arith.constant 0 : i32
    return %arg0, %c0_i32 : i32, i32
  }
}

module attributes {stable_mosaic.version = 14 : i64} {
  func.func @_comb_body(%arg0: i32, %arg1: memref<1024x768xf32, #tpu.memory_space<vmem>>, %arg2: memref<1024x768xf32, #tpu.memory_space<vmem>>, %arg3: memref<1024x768xf32, #tpu.memory_space<vmem>>, %arg4: memref<1024x768xf32, #tpu.memory_space<vmem>>) attributes {dimension_semantics = [#tpu.dimension_semantics<arbitrary>], iteration_bounds = array<i64: 2>, scalar_prefetch = 0 : i64, scratch_operands = 0 : i64, tpu.core_type = #tpu.core_type<tc>, window_params = [{transform_indices = @transform_0, window_bounds = array<i64: 1024, 768>}, {transform_indices = @transform_1, window_bounds = array<i64: 1024, 768>}, {transform_indices = @transform_2, window_bounds = array<i64: 1024, 768>}, {transform_indices = @transform_3, window_bounds = array<i64: 1024, 768>}]} {
    %get3A = arith.constant 0 : index
    %get3A_0 = arith.constant 0 : index
    %get3A_1 = vector.load %arg1[%get3A, %get3A_0] : memref<1024x768xf32, #tpu.memory_space<vmem>>, vector<1024x768xf32>
    %get3A_2 = arith.constant 0 : index
    %get3A_3 = arith.constant 0 : index
    %get3A_4 = vector.load %arg2[%get3A_2, %get3A_3] : memref<1024x768xf32, #tpu.memory_space<vmem>>, vector<1024x768xf32>
    %add3A = arith.addf %get3A_1, %get3A_4 : vector<1024x768xf32>
    %get3A_5 = arith.constant 0 : index
    %get3A_6 = arith.constant 0 : index
    %get3A_7 = vector.load %arg3[%get3A_5, %get3A_6] : memref<1024x768xf32, #tpu.memory_space<vmem>>, vector<1024x768xf32>
    %add3A_8 = arith.addf %add3A, %get3A_7 : vector<1024x768xf32>
    %swap3A = arith.constant 0 : index
    %swap3A_9 = arith.constant 0 : index
    %swap3A_10 = vector.load %arg4[%swap3A, %swap3A_9] : memref<1024x768xf32, #tpu.memory_space<vmem>>, vector<1024x768xf32>
    tpu.vector_store %arg4[%swap3A, %swap3A_9], %add3A_8 {strides = array<i32>} : memref<1024x768xf32, #tpu.memory_space<vmem>>, vector<1024x768xf32>,
    return
  }
  func.func @transform_0(%arg0: i32) -> (i32, i32) {
    %c0_i32 = arith.constant 0 : i32
    %c0_i32_0 = arith.constant 0 : i32
    return %arg0, %c0_i32 : i32, i32
  }
  func.func @transform_1(%arg0: i32) -> (i32, i32) {
    %c0_i32 = arith.constant 0 : i32
    %c0_i32_0 = arith.constant 0 : i32
    return %arg0, %c0_i32 : i32, i32
  }
  func.func @transform_2(%arg0: i32) -> (i32, i32) {
    %c0_i32 = arith.constant 0 : i32
    %c0_i32_0 = arith.constant 0 : i32
    return %arg0, %c0_i32 : i32, i32
  }
  func.func @transform_3(%arg0: i32) -> (i32, i32) {
    %c0_i32 = arith.constant 0 : i32
    %c0_i32_0 = arith.constant 0 : i32
    return %arg0, %c0_i32 : i32, i32
  }
}

</mosaic_0001>

<sc_bundles>
// kernel: kernel.11.cloned.1.call-start
scs
__scs_entry_jumppad:
0x0: {  	(pc) =	sbr.rel $0x88, $3  }
0x1: {  	(tag) =	ssettag $0x0;
	lr =	simm.s32 $0x1  }
0x2: {  	[smem:$0x3F98] =	sst lr;
	_ =	strace $0xD0000000  }
0x3: {  	_ = 	snop  }
0x4: {  	_ = 	snop  }
0x5: {  	_ = 	snop  }
0x6: {  	_ = 	snop  }
0x7: {  	_ = 	snop  }
__scs_overlays_trampoline_lowered:
0x8: {  	[smem:$0x3FA7] =	sst s0  }
0x9: {  	[smem:$0x3FA8] =	sst s1  }
0xa: {  	[smem:$0x3FA9] =	sst s2  }
0xb: {  	[smem:$0x3FAA] =	sst s3  }
0xc: {  	[smem:$0x3FAB] =	sst s4  }
0xd: {  	[smem:$0x3FAC] =	sst s5  }
0xe: {  	[smem:$0x3FAD] =	sst s6  }
0xf: {  	[smem:$0x3FAE] =	sst s7  }
0x10: {  	[smem:$0x3FAF] =	sst s8  }
0x11: {  	[smem:$0x3FB0] =	sst s9;
	s0 =	simm.s32 @!p0 $0x0  }
0x12: {  	s1 =	sld [smem:$0x3F96];
	s0 =	simm.s32 @p0 $0x1  }
0x13: {  	[smem:$0x3FB1] =	sst s0;
	s0 =	simm.s32 @!p1 $0x0  }
0x14: {  	s2 =	sld [smem:$0x3F95];
	s0 =	simm.s32 @p1 $0x1  }
0x15: {  	[smem:$0x3FB2] =	sst s0;
	s0 =	simm.s32 @!p2 $0x0  }
0x16: {  	s3 =	sld [smem:$0x3FDB];
	s0 =	simm.s32 @p2 $0x1  }
0x17: {  	s4 =	simm.s32 $0x1BF5;
	[smem:$0x3FB4] =	sst s0  }
0x18: {  	s0 =	sld [smem:$0x3F97];
	_ =	swait.ge [sflag:s4], $0x0  }
0x19: {  	s7 =	sld [smem:$0x3F98]  }
0x1a: {  	s8 =	sadd.s32 $0xFFFFE003, lr  }
0x1b: {  	s9 =	sadd.s32 $0xFFFFFEF7, lr;
	s5 =	simm.s32 $0xFFFFFFFF;
	p2 =	slt.u32 s8, $0xFFFFF086  }
0x1c: {  	p1 =	slt.u32 s9, $0xF7A;
	s5 =	simm.s32 @!p2 $0x0  }
0x1d: {  	s5 =	simm.s32 @p1 $0x1;
	p0 =	seq.s32 s7, s2  }
0x1e: {  	s7 =	smul.u32 @!p0 $0xF7A, s2;
	p2 =	seq.s32 @!p0 s5, $0x0  }
0x1f: {  	s9 =	smul.u32 $0xF7A, s1;
	s8 =	simm.s32 @!p0 $0x1BF5;
	p2 =	por !p2, p0  }
0x20: {  	[sflag:s8] =	ssyncset.s32 @!p0 $0xFFFFF086;
	s6 =	sadd.s32 @!p0 s3, s7;
	s7 =	simm.s32 @!p0 $0x108  }
0x21: {  	s3 =	sadd.s32 s3, s9;
	s6 =	sadd.s32 @!p0 $0x88, s6;
	s7 =	simm.s32 @p2 $0x1082  }
0x22: {  	[simem:s7], [sflag:s8] =	dma.local @!p0 [hbm:s6], $0xF7A  }
0x23: {  	s9 =	sor.u32 $0xD0000000, s2;
	s6 =	simm.s32 $0x108;
	_ =	swait.ge @!p0 [sflag:s8], $0x0  }
0x24: {  	s3 =	sadd.s32 $0x88, s3;
	s6 =	simm.s32 @!p1 $0x1082;
	[sflag:s4] =	ssyncset.s32 $0xFFFFF086  }
0x25: {  	[simem:s6], [sflag:s4] =	dma.local [hbm:s3], $0xF7A  }
0x26: {  	[smem:$0x3F98] =	sst s1;
	(tag) =	ssettag s2;
	_ =	strace s9  }
0x27: {  	s1 =	sld [smem:$0x3FA8]  }
0x28: {  	s2 =	sld [smem:$0x3FA9]  }
0x29: {  	s4 =	sld [smem:$0x3FAB]  }
0x2a: {  	p0 =	seq.s32 s5, $0x0;
	s5 =	sld [smem:$0x3FAC]  }
0x2b: {  	s6 =	sld [smem:$0x3FAD]  }
0x2c: {  	s7 =	sld [smem:$0x3FAE]  }
0x2d: {  	s3 =	simm.s32 $0x108;
	s8 =	sld [smem:$0x3FAF]  }
0x2e: {  	s3 =	simm.s32 @!p0 $0x1082;
	s9 =	sld [smem:$0x3FB0]  }
0x2f: {  	lr =	sadd.s32 s0, s3;
	s0 =	sld [smem:$0x3FA7]  }
0x30: {  	s3 =	sld [smem:$0x3FAA]  }
0x31: {  	[smem:$0x3FB3] =	sst s10  }
0x32: {  	s10 =	sld [smem:$0x3FB1];
	_ =	sdelay $0x3  }
0x33: {  	p0 =	seq.s32 s10, $0x1;
	s10 =	sld [smem:$0x3FB3];
	_ =	sdelay $0x3  }
0x34: {  	[smem:$0x3FB3] =	sst s10  }
0x35: {  	s10 =	sld [smem:$0x3FB2];
	_ =	sdelay $0x3  }
0x36: {  	p1 =	seq.s32 s10, $0x1;
	s10 =	sld [smem:$0x3FB3];
	_ =	sdelay $0x3  }
0x37: {  	[smem:$0x3FB3] =	sst s10  }
0x38: {  	s10 =	sld [smem:$0x3FB4]  }
0x39: {  	_ = 	snop;
	(pc) =	sbr.ind lr, $3  }
0x3a: {  	_ = 	snop  }
0x3b: {  	_ = 	snop  }
0x3c: {  	p2 =	seq.s32 s10, $0x1;
	s10 =	sld [smem:$0x3FB3]  }
0x3d: {  	_ =	shalt  }
0x3e: {  	_ =	shalt  }
0x3f: {  	_ =	shalt  }
0x40: {  	_ =	shalt  }
0x41: {  	_ =	shalt  }
0x42: {  	_ =	shalt  }
0x43: {  	_ =	shalt  }
0x44: {  	_ =	shalt  }
0x45: {  	_ =	shalt  }
0x46: {  	_ =	shalt  }
0x47: {  	_ =	shalt  }
0x48: {  	_ =	shalt  }
0x49: {  	_ =	shalt  }
0x4a: {  	_ =	shalt  }
0x4b: {  	_ =	shalt  }
0x4c: {  	_ =	shalt  }
0x4d: {  	_ =	shalt  }
0x4e: {  	_ =	shalt  }
0x4f: {  	_ =	shalt  }
0x50: {  	_ =	shalt  }
0x51: {  	_ =	shalt  }
0x52: {  	_ =	shalt  }
0x53: {  	_ =	shalt  }
0x54: {  	_ =	shalt  }
0x55: {  	_ =	shalt  }
0x56: {  	_ =	shalt  }
0x57: {  	_ =	shalt  }
0x58: {  	_ =	shalt  }
0x59: {  	_ =	shalt  }
0x5a: {  	_ =	shalt  }
0x5b: {  	_ =	shalt  }
0x5c: {  	_ =	shalt  }
0x5d: {  	_ =	shalt  }
0x5e: {  	_ =	shalt  }
0x5f: {  	_ =	shalt  }
0x60: {  	_ =	shalt  }
0x61: {  	_ =	shalt  }
0x62: {  	_ =	shalt  }
0x63: {  	_ =	shalt  }
0x64: {  	_ =	shalt  }
0x65: {  	_ =	shalt  }
0x66: {  	_ =	shalt  }
0x67: {  	_ =	shalt  }
0x68: {  	_ =	shalt  }
0x69: {  	_ =	shalt  }
0x6a: {  	_ =	shalt  }
0x6b: {  	_ =	shalt  }
0x6c: {  	_ =	shalt  }
0x6d: {  	_ =	shalt  }
0x6e: {  	_ =	shalt  }
0x6f: {  	_ =	shalt  }
0x70: {  	_ =	shalt  }
0x71: {  	_ =	shalt  }
0x72: {  	_ =	shalt  }
0x73: {  	_ =	shalt  }
0x74: {  	_ =	shalt  }
0x75: {  	_ =	shalt  }
0x76: {  	_ =	shalt  }
0x77: {  	_ =	shalt  }
0x78: {  	_ =	shalt  }
0x79: {  	_ =	shalt  }
0x7a: {  	_ =	shalt  }
0x7b: {  	_ =	shalt  }
0x7c: {  	_ =	shalt  }
0x7d: {  	_ =	shalt  }
0x7e: {  	_ =	shalt  }
0x7f: {  	_ =	shalt  }
0x80: {  	_ =	shalt  }
0x81: {  	_ =	shalt  }
0x82: {  	_ =	shalt  }
0x83: {  	_ =	shalt  }
0x84: {  	_ =	shalt  }
0x85: {  	_ =	shalt  }
0x86: {  	_ =	shalt  }
0x87: {  	_ =	shalt  }
.Lfunc_end0:
.L_simem_size_0:
called_computation.1_lowered:
.L_overlay_start_0:
0x88: {  	s2 =	sld [smem:$0x3FD9]  }
0x89: {  	s3 =	sld [smem:$0x3FFE];
	_ =	sdelay $0x1  }
0x8a: {  	s1 =	srdreg.scid  }
0x8b: {  	s0 =	sand.u32 $0x1, s1  }
0x8c: {  	s17 =	sshll.u32 s0, $0xA;
	s2 =	sadd.s32 s3, s2  }
0x8d: {  	s2 =	sadd.s32 s2, s17  }
0x8e: {  	[smem:$0x3FBF] =	sst s2  }
0x8f: {  	_ = 	snop  }
0x90: {  	s2 =	sld [smem:$0x3FD0];
	(tm) =	ssettm $0x1  }
0x91: {  	s18 =	sld [smem:$0x3FFB];
	_ =	sdelay $0x3  }
0x92: {  	_ =	strace s18  }
0x93: {  	s3 =	sld [smem:$0x3FFC];
	_ =	sdelay $0x3  }
0x94: {  	_ =	strace s3  }
0x95: {  	s3 =	sld [smem:$0x3FFD];
	_ =	sdelay $0x3  }
0x96: {  	_ =	strace s3  }
0x97: {  	_ =	strace $0x8FFFFFFF  }
0x98: {  	s19 =	sld [smem:$0x3FDB];
	_ =	sdelay $0x1  }
0x99: {  	s4 =	simm.s32 $_scs_section_size  }
0x9a: {  	s5 =	simm.s32 $_size__tile_overlayer_lowered;
	s6 =	simm.s32 $_tile_overlayer_lowered  }
0x9b: {  	s22 =	simm.s32 $0x1BFF;
	s21 =	sshll.u32 s6, $0x1;
	s3 =	sadd.s32 s4, s19  }
0x9c: {  	s7 =	simm.s32 $0x0;
	s20 =	sshll.u32 s5, $0x1;
	s5 =	sadd.s32 s21, s3  }
0x9d: {  	[timem:s7], [sflag:s22] =	dma.local [hbm:s5], s20  }
0x9e: {  	_ =	swait.ge [sflag:s22], s20  }
0x9f: {  	s4 =	ssub.s32 $0x0, s20;
	[sflag:s22] =	ssyncset.done $0x0  }
0xa0: {  	[sflag:s22] =	ssyncadd.s32 s4;
	_ =	sdelay $0x1  }
0xa1: {  	s23 =	simm.s32 $0x1B8B  }
0xa2: {  	_ =	swait.ge [sflag:s23], $0x1  }
0xa3: {  	[sflag:s23] =	ssyncset.done $0x0  }
0xa4: {  	s25 =	simm.s32 $0x1B8E;
	s24 =	sld [smem:$0x3FFE];
	[sflag:s23] =	ssyncadd.s32 $0xFFFFFFFF  }
0xa5: {  	s26 =	simm.s32 $execute0_lowered;
	[smem:$0x3FD2] =	sst s25  }
0xa6: {  	s5 =	sshll.u32 s26, $0x1;
	_ =	strace $0x80000049;
	[dreg:$0x1] =	wrdreg $0xFFFFFFFF  }
0xa7: {  	s28 =	simm.s32 $_size_execute0_lowered;
	s3 =	sadd.s32 s3, s5;
	[dreg:$0x0] =	wrdreg $0x0  }
0xa8: {  	s5 =	sshll.u32 s28, $0x1;
	[dreg:$0x2] =	wrdreg s3  }
0xa9: {  	[dreg:$0x3] =	wrdreg s5  }
0xaa: {  	[dreg:$0x4] =	wrdreg $0xC0  }
0xab: {  	_ =	task [dreg:s7], $0x5FFFF  }
0xac: {  	[dreg:$0x1] =	wrdreg $0xFFFFFFFF  }
0xad: {  	[dreg:$0x0] =	wrdreg $0x60  }
0xae: {  	[dreg:$0x2] =	wrdreg s24  }
0xaf: {  	[dreg:$0x3] =	wrdreg s2  }
0xb0: {  	[dreg:$0x4] =	wrdreg $0x9  }
0xb1: {  	_ =	task.clear_ibuf [dreg:s7], $0x5FFFF;
	_ =	strace $0x90000049  }
0xb2: {  	s29 =	simm.s32 $0x9;
	_ =	strace $0x8000004B  }
0xb3: {  	_ =	swait.ge [sflag:s29], $0x1  }
0xb4: {  	[sflag:s29] =	ssyncadd.s32 $0xFFFFFFFF  }
0xb5: {  	_ =	strace $0x9000004B  }
0xb6: {  	_ =	sfence  }
0xb7: {  	s30 =	sld [smem:$0x0];
	_ =	sdelay $0x2  }
0xb8: {  	s31 =	sshll.u32 s1, $0xD;
	s1 =	sshrl.u32 s1, $0x2  }
0xb9: {  	s3 =	sand.u32 $0x4000, s31;
	s1 =	sadd.s32 s1, s30  }
0xba: {  	s0 =	sor.u32 s3, s0;
	s1 =	sshll.u32 s1, $0x11  }
0xbb: {  	s0 =	sor.u32 s1, s0  }
0xbc: {  	s0 =	sadd.s32 $0x8F2B, s0  }
0xbd: {  	[sflag:s0] =	ssyncadd.remote.s32 $0x1  }
0xbe: {  	_ =	sfence.sel $0xFFFF  }
0xbf: {  	[dreg:$0x0] =	wrdreg $0xFFFFFFFF;
	(pc) =	sbr.abs _section_cstart, $3  }
0xc0: {  	[dreg:$0x1] =	wrdreg $0xFFFFFFFF  }
0xc1: {  	_ =	task.clear_ibuf [dreg:s7], $0x2FFFF;
	_ =	strace $0x9FFFFFFF  }
0xc2: {  	(tm) =	ssettm $0x7FFFFFFF  }
0xc3: {  	_ =	shalt  }
tec
execute0_lowered:
.L_overlay_start_1:
0x0: {  	(tag) =	ssettag $0x1  }
0x1: {  	s2 =	srdreg.scid;
	s1 =	rddreg [dreg:$0x0]  }
0x2: {  	s3 =	rddreg [dreg:$0x1];
	s4 =	sand.u32 $0x1, s2;
	s2 =	simm.s32 $0x0  }
0x3: {  	s23 =	simm.s32 $0x18000;
	[smem:$0x7FF] =	sst s2  }
0x4: {  	s24 =	simm.s32 $0x18080;
	_ =	strace $0x8000004A;
	[dreg:$0x7] =	wrdreg s23  }
0x5: {  	s25 =	simm.s32 $0x800;
	[dreg:$0x8] =	wrdreg s24  }
0x6: {  	s0 =	stileid.u32;
	s26 =	simm.s32 $0x1000;
	[dreg:$0x9] =	wrdreg s25  }
0x7: {  	s5 =	sshll.u32 s0, $0x4;
	s0 =	simm.s32 $0x1800;
	[dreg:$0xa] =	wrdreg s26  }
0x8: {  	s8 =	simm.s32 $0x3800;
	[dreg:$0xb] =	wrdreg s0  }
0x9: {  	s9 =	simm.s32 $0x4000;
	[dreg:$0xf] =	wrdreg s8  }
0xa: {  	s10 =	simm.s32 $0x4800;
	[dreg:$0x10] =	wrdreg s9  }
0xb: {  	s11 =	simm.s32 $0x5000;
	[dreg:$0x11] =	wrdreg s10  }
0xc: {  	s12 =	simm.s32 $0x5800;
	[dreg:$0x12] =	wrdreg s11  }
0xd: {  	s13 =	simm.s32 $0x6000;
	[dreg:$0x13] =	wrdreg s12  }
0xe: {  	s14 =	simm.s32 $0x6800;
	s15 =	simm.s32 $0x7000;
	[dreg:$0x14] =	wrdreg s13  }
0xf: {  	s16 =	simm.s32 $0x7800;
	s17 =	simm.s32 $0x8000;
	[dreg:$0x15] =	wrdreg s14  }
0x10: {  	s18 =	simm.s32 $0x8800;
	s20 =	simm.s32 $0x9000;
	[dreg:$0x16] =	wrdreg s15  }
0x11: {  	s28 =	simm.s32 $0x16000;
	s29 =	simm.s32 $0x16800;
	[dreg:$0x17] =	wrdreg s16  }
0x12: {  	s30 =	simm.s32 $0x17000;
	s31 =	simm.s32 $0x17800;
	[dreg:$0x18] =	wrdreg s17  }
0x13: {  	s6 =	sshll.u32 s4, $0x3;
	s4 =	ssub.s32 $0x2, s4;
	[dreg:$0x19] =	wrdreg s18  }
0x14: {  	s5 =	sor.u32 s6, s5;
	s19 =	sshrl.u32 s4, $0x1;
	[dreg:$0x1a] =	wrdreg s20  }
0x15: {  	s23 =	simm.s32 $0xA800;
	s24 =	simm.s32 $0xB000;
	s25 =	simm.s32 $0xB800  }
0x16: {  	s8 =	simm.s32 $0xC000;
	s26 =	simm.s32 $0xC800;
	s10 =	simm.s32 $0xD800  }
0x17: {  	s11 =	simm.s32 $0xE000;
	s12 =	simm.s32 $0xE800;
	s13 =	simm.s32 $0xF000  }
0x18: {  	s14 =	simm.s32 $0xF800;
	s15 =	simm.s32 $0x10000;
	[dreg:$0x1d] =	wrdreg s23  }
0x19: {  	s16 =	simm.s32 $0x10800;
	s17 =	simm.s32 $0x11000;
	[dreg:$0x1e] =	wrdreg s24  }
0x1a: {  	s18 =	simm.s32 $0x11800;
	s6 =	sadd.s32 s5, s1;
	[dreg:$0x1f] =	wrdreg s25  }
0x1b: {  	s5 =	smul.u32 $0x300, s5;
	[smem:$0x7FD] =	sst s26;
	s7 =	sadd.s32 $0x12800, s6  }
0x1c: {  	s20 =	simm.s32 $0x12800;
	s6 =	sadd.s32 $0x12A00, s6;
	[dreg:$0x3] =	wrdreg s7  }
0x1d: {  	s23 =	simm.s32 $0x14000;
	[dreg:$0x4] =	wrdreg s6;
	s3 =	sadd.s32 s3, s5  }
0x1e: {  	s21 =	sadd.s32 s5, s1;
	s5 =	simm.s32 $0x2000;
	[dreg:$0x5] =	wrdreg s3  }
0x1f: {  	s24 =	simm.s32 $0x14800;
	s6 =	simm.s32 $0x2800;
	[dreg:$0xc] =	wrdreg s5  }
0x20: {  	s25 =	simm.s32 $0x15000;
	s7 =	simm.s32 $0x3000;
	[dreg:$0xd] =	wrdreg s6  }
0x21: {  	s26 =	simm.s32 $0x15800;
	s22 =	sadd.s32 $0x12C00, s21;
	[dreg:$0xe] =	wrdreg s7  }
0x22: {  	s3 =	sadd.s32 $0xD2C00, s1;
	s6 =	ssub.s32 s4, s19;
	s21 =	simm.s32 $0x9800  }
0x23: {  	s4 =	sadd.s32 $0xD2D00, s1;
	s5 =	sadd.s32 $0xD2E00, s1;
	s7 =	simm.s32 $0x2  }
0x24: {  	v2 =	vlaneseq.u32;
	s19 =	simm.s32 $0x12000;
	s1 =	simm.s32 $0x1;
	[dreg:$0x6] =	wrdreg s22  }
0x25: {  	vm0 =	vmmov $0xffff;
	v1 =	vshrl.u32 v2, $0x3;
	[dreg:$0x1b] =	wrdreg s21;
	s22 =	simm.s32 $0xA000;
	s6 =	smax.u32 s6, $0x1  }
0x26: {  	v0 =	vand.u32 $0x7, v2;
	v2 =	vor.u32 $0x8, v2;
	v1 =	vmul.u32 $0x8, v1;
	s21 =	simm.s32 $0x13000;
	[dreg:$0x1c] =	wrdreg s22;
	s22 =	simm.s32 $0x13800  }
.LBB2_1:
0x27: {  	s0 =	rddreg [dreg:$0x3]  }
0x28: {  	s9 =	rddreg [dreg:$0x7]  }
0x29: {  	[tilespmem:s9], [sflag:$0x2] =	stream.linear.gather [hbm4b:s0+s2], $0x40, $0x38;
	[tilespmem:$0x18100] =	vst v63  }
0x2a: {  	_ =	swait.ge [sflag:s7], $0x40  }
0x2b: {  	s0 =	rddreg [dreg:$0x4];
	[sflag:s7] =	ssyncset.done $0x0  }
0x2c: {  	s9 =	rddreg [dreg:$0x8];
	[sflag:s7] =	ssyncadd.s32 $0xFFFFFFC0  }
0x2d: {  	[tilespmem:s9], [sflag:$0x2] =	stream.linear.gather [hbm4b:s0+s2], $0x40, $0x38;
	[tilespmem:$0x18100] =	vst v63  }
0x2e: {  	_ =	swait.ge [sflag:s7], $0x40  }
0x2f: {  	[sflag:s7] =	ssyncset.done $0x0  }
0x30: {  	[sflag:s7] =	ssyncadd.s32 $0xFFFFFFC0  }
0x31: {  	v3 =	vld [tilespmem:$0x18000];
	_ =	sdelay $0x4  }
0x32: {  	v4 =	vshrl.u32 v3, $0x3  }
0x33: {  	v4 =	vmul.u32 $0x30, v4  }
0x34: {  	v3 =	vand.u32 $0x7, v3  }
0x35: {  	v3 =	vor.u32 v3, v4  }
0x36: {  	v4 =	vperm.xlane v3, v0;
	_ =	sdelay $0x1  }
0x37: {  	v4 =	vadd.s32 v1, v4;
	_ =	sdelay $0x3  }
0x38: {  	v3 =	vperm.xlane v3, v2  }
0x39: {  	[tilespmem:s2], [sflag:$0x1] =	stream.indirect_vreg.gather [hbm4b:s3+s2], $0x80, v4, vm0, $0xb8;
	[tilespmem:$0x18100] =	vst v63  }
0x3a: {  	s0 =	rddreg [dreg:$0x9];
	v3 =	vadd.s32 v1, v3  }
0x3b: {  	[tilespmem:s0], [sflag:$0x1] =	stream.indirect_vreg.gather [hbm4b:s4+s2], $0x80, v4, vm0, $0xb8;
	[tilespmem:$0x18100] =	vst v63  }
0x3c: {  	s9 =	rddreg [dreg:$0xa]  }
0x3d: {  	[tilespmem:s9], [sflag:$0x1] =	stream.indirect_vreg.gather [hbm4b:s5+s2], $0x80, v4, vm0, $0xb8;
	[tilespmem:$0x18100] =	vst v63  }
0x3e: {  	s0 =	rddreg [dreg:$0xb]  }
0x3f: {  	[tilespmem:s0], [sflag:$0x1] =	stream.indirect_vreg.gather [hbm4b:s3+s2], $0x80, v3, vm0, $0xb8;
	[tilespmem:$0x18100] =	vst v63  }
0x40: {  	s9 =	rddreg [dreg:$0xc]  }
0x41: {  	[tilespmem:s9], [sflag:$0x1] =	stream.indirect_vreg.gather [hbm4b:s4+s2], $0x80, v3, vm0, $0xb8;
	[tilespmem:$0x18100] =	vst v63  }
0x42: {  	s0 =	rddreg [dreg:$0xd]  }
0x43: {  	[tilespmem:s0], [sflag:$0x1] =	stream.indirect_vreg.gather [hbm4b:s5+s2], $0x80, v3, vm0, $0xb8;
	[tilespmem:$0x18100] =	vst v63  }
0x44: {  	v3 =	vld [tilespmem:$0x18010];
	_ =	sdelay $0x4  }
0x45: {  	v57 =	vshrl.u32 v3, $0x3  }
0x46: {  	v4 =	vmul.u32 $0x30, v57  }
0x47: {  	v3 =	vand.u32 $0x7, v3  }
0x48: {  	v3 =	vor.u32 v3, v4  }
0x49: {  	v4 =	vperm.xlane v3, v0;
	_ =	sdelay $0x1  }
0x4a: {  	v4 =	vadd.s32 v1, v4;
	_ =	sdelay $0x3  }
0x4b: {  	s0 =	rddreg [dreg:$0xe];
	v3 =	vperm.xlane v3, v2  }
0x4c: {  	[tilespmem:s0], [sflag:$0x1] =	stream.indirect_vreg.gather [hbm4b:s3+s2], $0x80, v4, vm0, $0xb8;
	[tilespmem:$0x18100] =	vst v63  }
0x4d: {  	s9 =	rddreg [dreg:$0xf];
	v3 =	vadd.s32 v1, v3  }
0x4e: {  	[tilespmem:s9], [sflag:$0x1] =	stream.indirect_vreg.gather [hbm4b:s4+s2], $0x80, v4, vm0, $0xb8;
	[tilespmem:$0x18100] =	vst v63  }
0x4f: {  	s0 =	rddreg [dreg:$0x10]  }
0x50: {  	[tilespmem:s0], [sflag:$0x1] =	stream.indirect_vreg.gather [hbm4b:s5+s2], $0x80, v4, vm0, $0xb8;
	[tilespmem:$0x18100] =	vst v63  }
0x51: {  	s9 =	rddreg [dreg:$0x11]  }
0x52: {  	[tilespmem:s9], [sflag:$0x1] =	stream.indirect_vreg.gather [hbm4b:s3+s2], $0x80, v3, vm0, $0xb8;
	[tilespmem:$0x18100] =	vst v63  }
0x53: {  	s0 =	rddreg [dreg:$0x12]  }
0x54: {  	[tilespmem:s0], [sflag:$0x1] =	stream.indirect_vreg.gather [hbm4b:s4+s2], $0x80, v3, vm0, $0xb8;
	[tilespmem:$0x18100] =	vst v63  }
0x55: {  	s9 =	rddreg [dreg:$0x13]  }
0x56: {  	[tilespmem:s9], [sflag:$0x1] =	stream.indirect_vreg.gather [hbm4b:s5+s2], $0x80, v3, vm0, $0xb8;
	[tilespmem:$0x18100] =	vst v63  }
0x57: {  	v3 =	vld [tilespmem:$0x18020];
	_ =	sdelay $0x4  }
0x58: {  	v58 =	vshrl.u32 v3, $0x3  }
0x59: {  	v4 =	vmul.u32 $0x30, v58  }
0x5a: {  	v3 =	vand.u32 $0x7, v3  }
0x5b: {  	v3 =	vor.u32 v3, v4  }
0x5c: {  	v4 =	vperm.xlane v3, v0;
	_ =	sdelay $0x1  }
0x5d: {  	v4 =	vadd.s32 v1, v4;
	_ =	sdelay $0x3  }
0x5e: {  	s0 =	rddreg [dreg:$0x14];
	v3 =	vperm.xlane v3, v2  }
0x5f: {  	[tilespmem:s0], [sflag:$0x1] =	stream.indirect_vreg.gather [hbm4b:s3+s2], $0x80, v4, vm0, $0xb8;
	[tilespmem:$0x18100] =	vst v63  }
0x60: {  	s9 =	rddreg [dreg:$0x15];
	v3 =	vadd.s32 v1, v3  }
0x61: {  	[tilespmem:s9], [sflag:$0x1] =	stream.indirect_vreg.gather [hbm4b:s4+s2], $0x80, v4, vm0, $0xb8;
	[tilespmem:$0x18100] =	vst v63  }
0x62: {  	s0 =	rddreg [dreg:$0x16]  }
0x63: {  	[tilespmem:s0], [sflag:$0x1] =	stream.indirect_vreg.gather [hbm4b:s5+s2], $0x80, v4, vm0, $0xb8;
	[tilespmem:$0x18100] =	vst v63  }
0x64: {  	s9 =	rddreg [dreg:$0x17]  }
0x65: {  	[tilespmem:s9], [sflag:$0x1] =	stream.indirect_vreg.gather [hbm4b:s3+s2], $0x80, v3, vm0, $0xb8;
	[tilespmem:$0x18100] =	vst v63  }
0x66: {  	s0 =	rddreg [dreg:$0x18]  }
0x67: {  	[tilespmem:s0], [sflag:$0x1] =	stream.indirect_vreg.gather [hbm4b:s4+s2], $0x80, v3, vm0, $0xb8;
	[tilespmem:$0x18100] =	vst v63  }
0x68: {  	s9 =	rddreg [dreg:$0x19]  }
0x69: {  	[tilespmem:s9], [sflag:$0x1] =	stream.indirect_vreg.gather [hbm4b:s5+s2], $0x80, v3, vm0, $0xb8;
	[tilespmem:$0x18100] =	vst v63  }
0x6a: {  	v3 =	vld [tilespmem:$0x18030];
	_ =	sdelay $0x4  }
0x6b: {  	v59 =	vshrl.u32 v3, $0x3  }
0x6c: {  	v4 =	vmul.u32 $0x30, v59  }
0x6d: {  	v3 =	vand.u32 $0x7, v3  }
0x6e: {  	v3 =	vor.u32 v3, v4  }
0x6f: {  	v4 =	vperm.xlane v3, v0;
	_ =	sdelay $0x1  }
0x70: {  	v4 =	vadd.s32 v1, v4;
	_ =	sdelay $0x3  }
0x71: {  	s0 =	rddreg [dreg:$0x1a];
	v3 =	vperm.xlane v3, v2  }
0x72: {  	[tilespmem:s0], [sflag:$0x1] =	stream.indirect_vreg.gather [hbm4b:s3+s2], $0x80, v4, vm0, $0xb8;
	[tilespmem:$0x18100] =	vst v63  }
0x73: {  	s9 =	rddreg [dreg:$0x1b];
	v3 =	vadd.s32 v1, v3  }
0x74: {  	[tilespmem:s9], [sflag:$0x1] =	stream.indirect_vreg.gather [hbm4b:s4+s2], $0x80, v4, vm0, $0xb8;
	[tilespmem:$0x18100] =	vst v63  }
0x75: {  	s0 =	rddreg [dreg:$0x1c]  }
0x76: {  	[tilespmem:s0], [sflag:$0x1] =	stream.indirect_vreg.gather [hbm4b:s5+s2], $0x80, v4, vm0, $0xb8;
	[tilespmem:$0x18100] =	vst v63  }
0x77: {  	s9 =	rddreg [dreg:$0x1d]  }
0x78: {  	[tilespmem:s9], [sflag:$0x1] =	stream.indirect_vreg.gather [hbm4b:s3+s2], $0x80, v3, vm0, $0xb8;
	[tilespmem:$0x18100] =	vst v63  }
0x79: {  	s0 =	rddreg [dreg:$0x1e]  }
0x7a: {  	[tilespmem:s0], [sflag:$0x1] =	stream.indirect_vreg.gather [hbm4b:s4+s2], $0x80, v3, vm0, $0xb8;
	[tilespmem:$0x18100] =	vst v63  }
0x7b: {  	s9 =	rddreg [dreg:$0x1f]  }
0x7c: {  	[tilespmem:s9], [sflag:$0x1] =	stream.indirect_vreg.gather [hbm4b:s5+s2], $0x80, v3, vm0, $0xb8;
	[tilespmem:$0x18100] =	vst v63  }
0x7d: {  	v3 =	vld [tilespmem:$0x18080];
	_ =	sdelay $0x4  }
0x7e: {  	v60 =	vshrl.u32 v3, $0x3  }
0x7f: {  	v4 =	vmul.u32 $0x30, v60  }
0x80: {  	v3 =	vand.u32 $0x7, v3  }
0x81: {  	v3 =	vor.u32 v3, v4  }
0x82: {  	v4 =	vperm.xlane v3, v0;
	_ =	sdelay $0x1  }
0x83: {  	v4 =	vadd.s32 v1, v4;
	_ =	sdelay $0x3  }
0x84: {  	s9 =	sld [smem:$0x7FD];
	v3 =	vperm.xlane v3, v2  }
0x85: {  	[tilespmem:s8], [sflag:$0x1] =	stream.indirect_vreg.gather [hbm4b:s3+s2], $0x80, v4, vm0, $0xb8;
	[tilespmem:$0x18100] =	vst v63  }
0x86: {  	v3 =	vadd.s32 v1, v3  }
0x87: {  	[tilespmem:s9], [sflag:$0x1] =	stream.indirect_vreg.gather [hbm4b:s4+s2], $0x80, v4, vm0, $0xb8;
	[tilespmem:$0x18100] =	vst v63  }
0x88: {  	s9 =	simm.s32 $0xD000  }
0x89: {  	[tilespmem:s9], [sflag:$0x1] =	stream.indirect_vreg.gather [hbm4b:s5+s2], $0x80, v4, vm0, $0xb8;
	[tilespmem:$0x18100] =	vst v63  }
0x8a: {  	_ = 	snop  }
0x8b: {  	[tilespmem:s10], [sflag:$0x1] =	stream.indirect_vreg.gather [hbm4b:s3+s2], $0x80, v3, vm0, $0xb8;
	[tilespmem:$0x18100] =	vst v63  }
0x8c: {  	_ = 	snop  }
0x8d: {  	[tilespmem:s11], [sflag:$0x1] =	stream.indirect_vreg.gather [hbm4b:s4+s2], $0x80, v3, vm0, $0xb8;
	[tilespmem:$0x18100] =	vst v63  }
0x8e: {  	_ = 	snop  }
0x8f: {  	[tilespmem:s12], [sflag:$0x1] =	stream.indirect_vreg.gather [hbm4b:s5+s2], $0x80, v3, vm0, $0xb8;
	[tilespmem:$0x18100] =	vst v63  }
0x90: {  	v3 =	vld [tilespmem:$0x18090];
	_ =	sdelay $0x4  }
0x91: {  	v61 =	vshrl.u32 v3, $0x3  }
0x92: {  	v4 =	vmul.u32 $0x30, v61  }
0x93: {  	v3 =	vand.u32 $0x7, v3  }
0x94: {  	v3 =	vor.u32 v3, v4  }
0x95: {  	v4 =	vperm.xlane v3, v0;
	_ =	sdelay $0x1  }
0x96: {  	v4 =	vadd.s32 v1, v4;
	_ =	sdelay $0x3  }
0x97: {  	v3 =	vperm.xlane v3, v2  }
0x98: {  	[tilespmem:s13], [sflag:$0x1] =	stream.indirect_vreg.gather [hbm4b:s3+s2], $0x80, v4, vm0, $0xb8;
	[tilespmem:$0x18100] =	vst v63  }
0x99: {  	v3 =	vadd.s32 v1, v3  }
0x9a: {  	[tilespmem:s14], [sflag:$0x1] =	stream.indirect_vreg.gather [hbm4b:s4+s2], $0x80, v4, vm0, $0xb8;
	[tilespmem:$0x18100] =	vst v63  }
0x9b: {  	_ = 	snop  }
0x9c: {  	[tilespmem:s15], [sflag:$0x1] =	stream.indirect_vreg.gather [hbm4b:s5+s2], $0x80, v4, vm0, $0xb8;
	[tilespmem:$0x18100] =	vst v63  }
0x9d: {  	_ = 	snop  }
0x9e: {  	[tilespmem:s16], [sflag:$0x1] =	stream.indirect_vreg.gather [hbm4b:s3+s2], $0x80, v3, vm0, $0xb8;
	[tilespmem:$0x18100] =	vst v63  }
0x9f: {  	_ = 	snop  }
0xa0: {  	[tilespmem:s17], [sflag:$0x1] =	stream.indirect_vreg.gather [hbm4b:s4+s2], $0x80, v3, vm0, $0xb8;
	[tilespmem:$0x18100] =	vst v63  }
0xa1: {  	_ = 	snop  }
0xa2: {  	[tilespmem:s18], [sflag:$0x1] =	stream.indirect_vreg.gather [hbm4b:s5+s2], $0x80, v3, vm0, $0xb8;
	[tilespmem:$0x18100] =	vst v63  }
0xa3: {  	v3 =	vld [tilespmem:$0x180A0];
	_ =	sdelay $0x4  }
0xa4: {  	v62 =	vshrl.u32 v3, $0x3  }
0xa5: {  	v4 =	vmul.u32 $0x30, v62  }
0xa6: {  	v3 =	vand.u32 $0x7, v3  }
0xa7: {  	v3 =	vor.u32 v3, v4  }
0xa8: {  	v4 =	vperm.xlane v3, v0;
	_ =	sdelay $0x1  }
0xa9: {  	v4 =	vadd.s32 v1, v4;
	_ =	sdelay $0x3  }
0xaa: {  	v3 =	vperm.xlane v3, v2  }
0xab: {  	[tilespmem:s19], [sflag:$0x1] =	stream.indirect_vreg.gather [hbm4b:s3+s2], $0x80, v4, vm0, $0xb8;
	[tilespmem:$0x18100] =	vst v63  }
0xac: {  	v3 =	vadd.s32 v1, v3  }
0xad: {  	[tilespmem:s20], [sflag:$0x1] =	stream.indirect_vreg.gather [hbm4b:s4+s2], $0x80, v4, vm0, $0xb8;
	[tilespmem:$0x18100] =	vst v63  }
0xae: {  	_ = 	snop  }
0xaf: {  	[tilespmem:s21], [sflag:$0x1] =	stream.indirect_vreg.gather [hbm4b:s5+s2], $0x80, v4, vm0, $0xb8;
	[tilespmem:$0x18100] =	vst v63  }
0xb0: {  	_ = 	snop  }
0xb1: {  	[tilespmem:s22], [sflag:$0x1] =	stream.indirect_vreg.gather [hbm4b:s3+s2], $0x80, v3, vm0, $0xb8;
	[tilespmem:$0x18100] =	vst v63  }
0xb2: {  	_ = 	snop  }
0xb3: {  	[tilespmem:s23], [sflag:$0x1] =	stream.indirect_vreg.gather [hbm4b:s4+s2], $0x80, v3, vm0, $0xb8;
	[tilespmem:$0x18100] =	vst v63  }
0xb4: {  	_ = 	snop  }
0xb5: {  	[tilespmem:s24], [sflag:$0x1] =	stream.indirect_vreg.gather [hbm4b:s5+s2], $0x80, v3, vm0, $0xb8;
	[tilespmem:$0x18100] =	vst v63  }
0xb6: {  	v3 =	vld [tilespmem:$0x180B0];
	_ =	sdelay $0x4  }
0xb7: {  	v63 =	vshrl.u32 v3, $0x3  }
0xb8: {  	v4 =	vmul.u32 $0x30, v63  }
0xb9: {  	v3 =	vand.u32 $0x7, v3  }
0xba: {  	v3 =	vor.u32 v3, v4  }
0xbb: {  	v4 =	vperm.xlane v3, v0;
	_ =	sdelay $0x1  }
0xbc: {  	v4 =	vadd.s32 v1, v4;
	_ =	sdelay $0x3  }
0xbd: {  	v3 =	vperm.xlane v3, v2  }
0xbe: {  	[tilespmem:s25], [sflag:$0x1] =	stream.indirect_vreg.gather [hbm4b:s3+s2], $0x80, v4, vm0, $0xb8;
	[tilespmem:$0x18100] =	vst v63  }
0xbf: {  	v3 =	vadd.s32 v1, v3  }
0xc0: {  	[tilespmem:s26], [sflag:$0x1] =	stream.indirect_vreg.gather [hbm4b:s4+s2], $0x80, v4, vm0, $0xb8;
	[tilespmem:$0x18100] =	vst v63  }
0xc1: {  	_ = 	snop  }
0xc2: {  	[tilespmem:s28], [sflag:$0x1] =	stream.indirect_vreg.gather [hbm4b:s5+s2], $0x80, v4, vm0, $0xb8;
	[tilespmem:$0x18100] =	vst v63  }
0xc3: {  	_ = 	snop  }
0xc4: {  	[tilespmem:s29], [sflag:$0x1] =	stream.indirect_vreg.gather [hbm4b:s3+s2], $0x80, v3, vm0, $0xb8;
	[tilespmem:$0x18100] =	vst v63  }
0xc5: {  	_ = 	snop  }
0xc6: {  	[tilespmem:s30], [sflag:$0x1] =	stream.indirect_vreg.gather [hbm4b:s4+s2], $0x80, v3, vm0, $0xb8;
	[tilespmem:$0x18100] =	vst v63  }
0xc7: {  	_ = 	snop  }
0xc8: {  	[tilespmem:s31], [sflag:$0x1] =	stream.indirect_vreg.gather [hbm4b:s5+s2], $0x80, v3, vm0, $0xb8;
	[tilespmem:$0x18100] =	vst v63  }
0xc9: {  	_ =	swait.ge [sflag:s1], $0xC000  }
0xca: {  	[sflag:s1] =	ssyncset.done $0x0  }
0xcb: {  	[sflag:s1] =	ssyncadd.s32 $0xFFFF4000  }
0xcc: {  	_ =	swait.ge [sflag:s1], $0xC000  }
0xcd: {  	[sflag:s1] =	ssyncset.done $0x0  }
0xce: {  	s9 =	rddreg [dreg:$0x5];
	[sflag:s1] =	ssyncadd.s32 $0xFFFF4000  }
0xcf: {  	[hbm4b:s9+s2] =	stream.linear.scatter [tilespmem:s2], [sflag:$0x2], $0xC000, $0x38;
	[tilespmem:$0x18100] =	vst v63  }
0xd0: {  	_ =	swait.ge [sflag:s7], $0xC000  }
0xd1: {  	p0 =	sne.s32 s6, $0x1;
	[sflag:s7] =	ssyncset.done $0x0  }
.Ltmp0:
0xd2: {  	s9 =	rddreg [dreg:$0x6];
	[sflag:s7] =	ssyncadd.s32 $0xFFFF4000;
	(pc) =	sbr.rel @p0 .LBB2_1-.Ltmp0, $4  }
0xd3: {  	[hbm4b:s9+s2] =	stream.linear.scatter [tilespmem:s8], [sflag:$0x2], $0xC000, $0x38;
	[tilespmem:$0x18100] =	vst v63  }
0xd4: {  	_ =	swait.ge [sflag:s7], $0xC000  }
0xd5: {  	[sflag:s7] =	ssyncset.done $0x0  }
0xd6: {  	s6 =	sadd.s32 $0xFFFFFFFF, s6;
	[sflag:s7] =	ssyncadd.s32 $0xFFFF4000  }
0xd7: {  	_ =	sfence.sel $0x180000  }
0xd8: {  	[bflag:$0x0] =	sbarrier.arrive $0xFFFF  }
0xd9: {  	_ =	strace $0x9000004A  }
0xda: {  	s0 =	stileid.u32;
	[bflag:$0x2] =	sbarrier.arrive $0xFFFF  }
0xdb: {  	p0 =	sne.s32 s0, $0x0;
	s0 =	rddreg [dreg:$0x2]  }
0xdc: {  	s0 =	sadd.s32 @!p0 $0x100000, s0  }
0xdd: {  	[sflag:s0] =	ssyncadd.tile.s32 @!p0 $0x1;
	_ =	shalt  }
.Lfunc_end2:
_tile_overlayer_lowered:
.L_overlay_start_2:
0xde: {  	(tag) =	ssettag $0x2  }
0xdf: {  	s0 =	rddreg [dreg:$0x0];
	s2 =	stileid.u32  }
0xe0: {  	s1 =	rddreg [dreg:$0x1];
	p0 =	sne.s32 s2, $0x0  }
0xe1: {  	s3 =	rddreg [dreg:$0x2];
	[bflag:$0x3] =	sbarrier.arrive $0xFFFF;
	s2 =	simm.s32 @!p0 $0x1C02  }
0xe2: {  	[timem:s3], [sflag:s2] =	dma.local @!p0 [hbm:s0], s1  }
0xe3: {  	s0 =	simm.s32 @!p0 $0x2  }
0xe4: {  	_ =	swait.ge @!p0 [sflag:s0], s1  }
0xe5: {  	s1 =	ssub.s32 @!p0 $0x0, s1;
	[sflag:s0] =	ssyncset.done @!p0 $0x0  }
0xe6: {  	[sflag:s0] =	ssyncadd.s32 @!p0 s1  }
0xe7: {  	[bflag:$0x3] =	sbarrier.arrive $0xFFFF  }
0xe8: {  	_ =	shalt  }

// kernel: kernel.8.cloned.1.call-start
scs
__scs_entry_jumppad:
0x0: {  	(pc) =	sbr.rel $0x88, $3  }
0x1: {  	(tag) =	ssettag $0x0;
	lr =	simm.s32 $0x1  }
0x2: {  	[smem:$0x3F98] =	sst lr;
	_ =	strace $0xD0000000  }
0x3: {  	_ = 	snop  }
0x4: {  	_ = 	snop  }
0x5: {  	_ = 	snop  }
0x6: {  	_ = 	snop  }
0x7: {  	_ = 	snop  }
__scs_overlays_trampoline_lowered:
0x8: {  	[smem:$0x3FA7] =	sst s0  }
0x9: {  	[smem:$0x3FA8] =	sst s1  }
0xa: {  	[smem:$0x3FA9] =	sst s2  }
0xb: {  	[smem:$0x3FAA] =	sst s3  }
0xc: {  	[smem:$0x3FAB] =	sst s4  }
0xd: {  	[smem:$0x3FAC] =	sst s5  }
0xe: {  	[smem:$0x3FAD] =	sst s6  }
0xf: {  	[smem:$0x3FAE] =	sst s7  }
0x10: {  	[smem:$0x3FAF] =	sst s8  }
0x11: {  	[smem:$0x3FB0] =	sst s9;
	s0 =	simm.s32 @!p0 $0x0  }
0x12: {  	s1 =	sld [smem:$0x3F96];
	s0 =	simm.s32 @p0 $0x1  }
0x13: {  	[smem:$0x3FB1] =	sst s0;
	s0 =	simm.s32 @!p1 $0x0  }
0x14: {  	s2 =	sld [smem:$0x3F95];
	s0 =	simm.s32 @p1 $0x1  }
0x15: {  	[smem:$0x3FB2] =	sst s0;
	s0 =	simm.s32 @!p2 $0x0  }
0x16: {  	s3 =	sld [smem:$0x3FDB];
	s0 =	simm.s32 @p2 $0x1  }
0x17: {  	s4 =	simm.s32 $0x1BF5;
	[smem:$0x3FB4] =	sst s0  }
0x18: {  	s0 =	sld [smem:$0x3F97];
	_ =	swait.ge [sflag:s4], $0x0  }
0x19: {  	s7 =	sld [smem:$0x3F98]  }
0x1a: {  	s8 =	sadd.s32 $0xFFFFE003, lr  }
0x1b: {  	s9 =	sadd.s32 $0xFFFFFEF7, lr;
	s5 =	simm.s32 $0xFFFFFFFF;
	p2 =	slt.u32 s8, $0xFFFFF086  }
0x1c: {  	p1 =	slt.u32 s9, $0xF7A;
	s5 =	simm.s32 @!p2 $0x0  }
0x1d: {  	s5 =	simm.s32 @p1 $0x1;
	p0 =	seq.s32 s7, s2  }
0x1e: {  	s7 =	smul.u32 @!p0 $0xF7A, s2;
	p2 =	seq.s32 @!p0 s5, $0x0  }
0x1f: {  	s9 =	smul.u32 $0xF7A, s1;
	s8 =	simm.s32 @!p0 $0x1BF5;
	p2 =	por !p2, p0  }
0x20: {  	[sflag:s8] =	ssyncset.s32 @!p0 $0xFFFFF086;
	s6 =	sadd.s32 @!p0 s3, s7;
	s7 =	simm.s32 @!p0 $0x108  }
0x21: {  	s3 =	sadd.s32 s3, s9;
	s6 =	sadd.s32 @!p0 $0x88, s6;
	s7 =	simm.s32 @p2 $0x1082  }
0x22: {  	[simem:s7], [sflag:s8] =	dma.local @!p0 [hbm:s6], $0xF7A  }
0x23: {  	s9 =	sor.u32 $0xD0000000, s2;
	s6 =	simm.s32 $0x108;
	_ =	swait.ge @!p0 [sflag:s8], $0x0  }
0x24: {  	s3 =	sadd.s32 $0x88, s3;
	s6 =	simm.s32 @!p1 $0x1082;
	[sflag:s4] =	ssyncset.s32 $0xFFFFF086  }
0x25: {  	[simem:s6], [sflag:s4] =	dma.local [hbm:s3], $0xF7A  }
0x26: {  	[smem:$0x3F98] =	sst s1;
	(tag) =	ssettag s2;
	_ =	strace s9  }
0x27: {  	s1 =	sld [smem:$0x3FA8]  }
0x28: {  	s2 =	sld [smem:$0x3FA9]  }
0x29: {  	s4 =	sld [smem:$0x3FAB]  }
0x2a: {  	p0 =	seq.s32 s5, $0x0;
	s5 =	sld [smem:$0x3FAC]  }
0x2b: {  	s6 =	sld [smem:$0x3FAD]  }
0x2c: {  	s7 =	sld [smem:$0x3FAE]  }
0x2d: {  	s3 =	simm.s32 $0x108;
	s8 =	sld [smem:$0x3FAF]  }
0x2e: {  	s3 =	simm.s32 @!p0 $0x1082;
	s9 =	sld [smem:$0x3FB0]  }
0x2f: {  	lr =	sadd.s32 s0, s3;
	s0 =	sld [smem:$0x3FA7]  }
0x30: {  	s3 =	sld [smem:$0x3FAA]  }
0x31: {  	[smem:$0x3FB3] =	sst s10  }
0x32: {  	s10 =	sld [smem:$0x3FB1];
	_ =	sdelay $0x3  }
0x33: {  	p0 =	seq.s32 s10, $0x1;
	s10 =	sld [smem:$0x3FB3];
	_ =	sdelay $0x3  }
0x34: {  	[smem:$0x3FB3] =	sst s10  }
0x35: {  	s10 =	sld [smem:$0x3FB2];
	_ =	sdelay $0x3  }
0x36: {  	p1 =	seq.s32 s10, $0x1;
	s10 =	sld [smem:$0x3FB3];
	_ =	sdelay $0x3  }
0x37: {  	[smem:$0x3FB3] =	sst s10  }
0x38: {  	s10 =	sld [smem:$0x3FB4]  }
0x39: {  	_ = 	snop;
	(pc) =	sbr.ind lr, $3  }
0x3a: {  	_ = 	snop  }
0x3b: {  	_ = 	snop  }
0x3c: {  	p2 =	seq.s32 s10, $0x1;
	s10 =	sld [smem:$0x3FB3]  }
0x3d: {  	_ =	shalt  }
0x3e: {  	_ =	shalt  }
0x3f: {  	_ =	shalt  }
0x40: {  	_ =	shalt  }
0x41: {  	_ =	shalt  }
0x42: {  	_ =	shalt  }
0x43: {  	_ =	shalt  }
0x44: {  	_ =	shalt  }
0x45: {  	_ =	shalt  }
0x46: {  	_ =	shalt  }
0x47: {  	_ =	shalt  }
0x48: {  	_ =	shalt  }
0x49: {  	_ =	shalt  }
0x4a: {  	_ =	shalt  }
0x4b: {  	_ =	shalt  }
0x4c: {  	_ =	shalt  }
0x4d: {  	_ =	shalt  }
0x4e: {  	_ =	shalt  }
0x4f: {  	_ =	shalt  }
0x50: {  	_ =	shalt  }
0x51: {  	_ =	shalt  }
0x52: {  	_ =	shalt  }
0x53: {  	_ =	shalt  }
0x54: {  	_ =	shalt  }
0x55: {  	_ =	shalt  }
0x56: {  	_ =	shalt  }
0x57: {  	_ =	shalt  }
0x58: {  	_ =	shalt  }
0x59: {  	_ =	shalt  }
0x5a: {  	_ =	shalt  }
0x5b: {  	_ =	shalt  }
0x5c: {  	_ =	shalt  }
0x5d: {  	_ =	shalt  }
0x5e: {  	_ =	shalt  }
0x5f: {  	_ =	shalt  }
0x60: {  	_ =	shalt  }
0x61: {  	_ =	shalt  }
0x62: {  	_ =	shalt  }
0x63: {  	_ =	shalt  }
0x64: {  	_ =	shalt  }
0x65: {  	_ =	shalt  }
0x66: {  	_ =	shalt  }
0x67: {  	_ =	shalt  }
0x68: {  	_ =	shalt  }
0x69: {  	_ =	shalt  }
0x6a: {  	_ =	shalt  }
0x6b: {  	_ =	shalt  }
0x6c: {  	_ =	shalt  }
0x6d: {  	_ =	shalt  }
0x6e: {  	_ =	shalt  }
0x6f: {  	_ =	shalt  }
0x70: {  	_ =	shalt  }
0x71: {  	_ =	shalt  }
0x72: {  	_ =	shalt  }
0x73: {  	_ =	shalt  }
0x74: {  	_ =	shalt  }
0x75: {  	_ =	shalt  }
0x76: {  	_ =	shalt  }
0x77: {  	_ =	shalt  }
0x78: {  	_ =	shalt  }
0x79: {  	_ =	shalt  }
0x7a: {  	_ =	shalt  }
0x7b: {  	_ =	shalt  }
0x7c: {  	_ =	shalt  }
0x7d: {  	_ =	shalt  }
0x7e: {  	_ =	shalt  }
0x7f: {  	_ =	shalt  }
0x80: {  	_ =	shalt  }
0x81: {  	_ =	shalt  }
0x82: {  	_ =	shalt  }
0x83: {  	_ =	shalt  }
0x84: {  	_ =	shalt  }
0x85: {  	_ =	shalt  }
0x86: {  	_ =	shalt  }
0x87: {  	_ =	shalt  }
.Lfunc_end0:
.L_simem_size_0:
called_computation_lowered:
.L_overlay_start_0:
0x88: {  	s2 =	sld [smem:$0x3FD9]  }
0x89: {  	s3 =	sld [smem:$0x3FFE];
	_ =	sdelay $0x1  }
0x8a: {  	s1 =	srdreg.scid  }
0x8b: {  	s0 =	sand.u32 $0x1, s1  }
0x8c: {  	s17 =	sshll.u32 s0, $0xA;
	s2 =	sadd.s32 s3, s2  }
0x8d: {  	s2 =	sadd.s32 s2, s17  }
0x8e: {  	[smem:$0x3FBF] =	sst s2  }
0x8f: {  	_ = 	snop  }
0x90: {  	s2 =	sld [smem:$0x3FC9]  }
0x91: {  	s18 =	sld [smem:$0x3FD0];
	(tm) =	ssettm $0x1  }
0x92: {  	s4 =	sld [smem:$0x3FFB];
	_ =	sdelay $0x3  }
0x93: {  	_ =	strace s4  }
0x94: {  	s4 =	sld [smem:$0x3FFC];
	_ =	sdelay $0x3  }
0x95: {  	_ =	strace s4  }
0x96: {  	s4 =	sld [smem:$0x3FFD];
	_ =	sdelay $0x3  }
0x97: {  	_ =	strace s4  }
0x98: {  	_ =	strace $0x8FFFFFFF  }
0x99: {  	s19 =	sld [smem:$0x3FDB];
	_ =	sdelay $0x1  }
0x9a: {  	s5 =	simm.s32 $_scs_section_size  }
0x9b: {  	s6 =	simm.s32 $_size__tile_overlayer_lowered;
	s7 =	simm.s32 $_tile_overlayer_lowered  }
0x9c: {  	s22 =	simm.s32 $0x1BFF;
	s21 =	sshll.u32 s7, $0x1;
	s4 =	sadd.s32 s5, s19  }
0x9d: {  	s8 =	simm.s32 $0x0;
	s20 =	sshll.u32 s6, $0x1;
	s6 =	sadd.s32 s21, s4  }
0x9e: {  	[timem:s8], [sflag:s22] =	dma.local [hbm:s6], s20  }
0x9f: {  	_ =	swait.ge [sflag:s22], s20  }
0xa0: {  	s5 =	ssub.s32 $0x0, s20;
	[sflag:s22] =	ssyncset.done $0x0  }
0xa1: {  	[sflag:s22] =	ssyncadd.s32 s5;
	_ =	sdelay $0x1  }
0xa2: {  	s23 =	simm.s32 $0x1B8B  }
0xa3: {  	_ =	swait.ge [sflag:s23], $0x1  }
0xa4: {  	[sflag:s23] =	ssyncset.done $0x0  }
0xa5: {  	s25 =	simm.s32 $0x1B8E;
	s24 =	sld [smem:$0x3FFE];
	[sflag:s23] =	ssyncadd.s32 $0xFFFFFFFF  }
0xa6: {  	s26 =	simm.s32 $execute0_lowered;
	[smem:$0x3FD2] =	sst s25  }
0xa7: {  	s6 =	sshll.u32 s26, $0x1;
	_ =	strace $0x80000046;
	[dreg:$0x1] =	wrdreg $0xFFFFFFFF  }
0xa8: {  	s28 =	simm.s32 $_size_execute0_lowered;
	s4 =	sadd.s32 s4, s6;
	[dreg:$0x0] =	wrdreg $0x0  }
0xa9: {  	s6 =	sshll.u32 s28, $0x1;
	[dreg:$0x2] =	wrdreg s4  }
0xaa: {  	[dreg:$0x3] =	wrdreg s6  }
0xab: {  	[dreg:$0x4] =	wrdreg $0xC0  }
0xac: {  	_ =	task [dreg:s8], $0x5FFFF  }
0xad: {  	[dreg:$0x1] =	wrdreg $0xFFFFFFFF  }
0xae: {  	[dreg:$0x0] =	wrdreg $0x60  }
0xaf: {  	[dreg:$0x2] =	wrdreg s2  }
0xb0: {  	[dreg:$0x3] =	wrdreg s24  }
0xb1: {  	[dreg:$0x4] =	wrdreg s18  }
0xb2: {  	[dreg:$0x5] =	wrdreg $0x9  }
0xb3: {  	_ =	task.clear_ibuf [dreg:s8], $0x6FFFF;
	_ =	strace $0x90000046  }
0xb4: {  	s29 =	simm.s32 $0x9;
	_ =	strace $0x80000048  }
0xb5: {  	_ =	swait.ge [sflag:s29], $0x1  }
0xb6: {  	[sflag:s29] =	ssyncadd.s32 $0xFFFFFFFF  }
0xb7: {  	_ =	strace $0x90000048  }
0xb8: {  	_ =	sfence  }
0xb9: {  	s30 =	sld [smem:$0x0];
	_ =	sdelay $0x2  }
0xba: {  	s31 =	sshll.u32 s1, $0xD;
	s1 =	sshrl.u32 s1, $0x2  }
0xbb: {  	s3 =	sand.u32 $0x4000, s31;
	s1 =	sadd.s32 s1, s30  }
0xbc: {  	s0 =	sor.u32 s3, s0;
	s1 =	sshll.u32 s1, $0x11  }
0xbd: {  	s0 =	sor.u32 s1, s0  }
0xbe: {  	s0 =	sadd.s32 $0x8F2B, s0  }
0xbf: {  	[sflag:s0] =	ssyncadd.remote.s32 $0x1  }
0xc0: {  	_ =	sfence.sel $0xFFFF  }
0xc1: {  	[dreg:$0x0] =	wrdreg $0xFFFFFFFF;
	(pc) =	sbr.abs _section_cstart, $3  }
0xc2: {  	[dreg:$0x1] =	wrdreg $0xFFFFFFFF  }
0xc3: {  	_ =	task.clear_ibuf [dreg:s8], $0x2FFFF;
	_ =	strace $0x9FFFFFFF  }
0xc4: {  	(tm) =	ssettm $0x7FFFFFFF  }
0xc5: {  	_ =	shalt  }
tec
execute0_lowered:
.L_overlay_start_1:
0x0: {  	(tag) =	ssettag $0x1  }
0x1: {  	s0 =	srdreg.scid;
	s1 =	rddreg [dreg:$0x0]  }
0x2: {  	s3 =	stileid.u32;
	s2 =	rddreg [dreg:$0x1]  }
0x3: {  	s9 =	simm.s32 $0x2;
	s12 =	simm.s32 $0x1;
	s17 =	simm.s32 $0xE000  }
0x4: {  	s18 =	simm.s32 $0x1000;
	s19 =	simm.s32 $0x1800;
	s20 =	simm.s32 $0x2000  }
0x5: {  	s21 =	simm.s32 $0x2800;
	s22 =	simm.s32 $0x3000;
	s23 =	simm.s32 $0x3800  }
0x6: {  	s28 =	simm.s32 $0x5800;
	s29 =	simm.s32 $0x6000;
	s30 =	simm.s32 $0x6800  }
0x7: {  	s31 =	simm.s32 $0x7000;
	s8 =	simm.s32 $0x9000;
	s10 =	simm.s32 $0x9800  }
0x8: {  	s11 =	simm.s32 $0xA000;
	s14 =	simm.s32 $0xA800;
	s0 =	sand.u32 $0x1, s0  }
0x9: {  	s15 =	simm.s32 $0xB000;
	s3 =	sshll.u32 s3, $0x7;
	s4 =	sshll.u32 s0, $0x6  }
0xa: {  	s16 =	simm.s32 $0xB800;
	s0 =	ssub.s32 $0x2, s0;
	s4 =	sor.u32 s4, s3  }
0xb: {  	s3 =	simm.s32 $0x0;
	s25 =	sshrl.u32 s0, $0x1;
	s5 =	sshrl.u32 s4, $0x3  }
0xc: {  	[smem:$0x7FF] =	sst s3;
	s4 =	sshll.u32 s4, $0x4;
	s6 =	sadd.s32 s5, s2  }
0xd: {  	s0 =	ssub.s32 s0, s25;
	_ =	strace $0x80000047;
	s7 =	sadd.s32 $0x12800, s6  }
0xe: {  	s4 =	sadd.s32 s4, s2;
	s6 =	sadd.s32 $0x12A00, s6;
	[dreg:$0x4] =	wrdreg s7  }
0xf: {  	s5 =	smul.u32 $0x300, s5;
	s24 =	sadd.s32 $0x2800, s4;
	[dreg:$0x5] =	wrdreg s6  }
0x10: {  	s25 =	simm.s32 $0x4800;
	s26 =	sadd.s32 $0xA800, s4;
	[dreg:$0x7] =	wrdreg s24  }
0x11: {  	v2 =	vlaneseq.u32;
	s4 =	sadd.s32 $0x12C00, s2;
	s1 =	sadd.s32 s1, s5;
	[dreg:$0x8] =	wrdreg s26  }
0x12: {  	vm0 =	vmmov $0xffff;
	v1 =	vshrl.u32 v2, $0x3;
	s5 =	sadd.s32 $0x12D00, s2;
	s6 =	sadd.s32 $0x12E00, s2;
	s7 =	smax.u32 s0, $0x1  }
0x13: {  	v0 =	vand.u32 $0x7, v2;
	v2 =	vor.u32 $0x8, v2;
	v1 =	vmul.u32 $0x8, v1;
	s24 =	simm.s32 $0x4000;
	s26 =	simm.s32 $0x5000;
	[dreg:$0x6] =	wrdreg s1  }
.LBB2_1:
0x14: {  	s13 =	rddreg [dreg:$0x4];
	s0 =	simm.s32 $0x10000  }
0x15: {  	[tilespmem:s0], [sflag:$0x2] =	stream.linear.gather [hbm4b:s13+s3], $0x40, $0x38;
	[tilespmem:$0x10100] =	vst v63  }
0x16: {  	_ =	swait.ge [sflag:s9], $0x40  }
0x17: {  	[sflag:s9] =	ssyncset.done $0x0  }
0x18: {  	s2 =	simm.s32 $0x10080;
	s1 =	rddreg [dreg:$0x5];
	[sflag:s9] =	ssyncadd.s32 $0xFFFFFFC0  }
0x19: {  	[tilespmem:s2], [sflag:$0x2] =	stream.linear.gather [hbm4b:s1+s3], $0x40, $0x38;
	[tilespmem:$0x10100] =	vst v63  }
0x1a: {  	_ =	swait.ge [sflag:s9], $0x40  }
0x1b: {  	[sflag:s9] =	ssyncset.done $0x0  }
0x1c: {  	s0 =	rddreg [dreg:$0x6];
	[sflag:s9] =	ssyncadd.s32 $0xFFFFFFC0  }
0x1d: {  	[tilespmem:s3], [sflag:$0x2] =	stream.linear.gather [hbm4b:s0+s3], $0xC000, $0x38;
	[tilespmem:$0x10100] =	vst v63  }
0x1e: {  	_ =	swait.ge [sflag:s9], $0xC000  }
0x1f: {  	[sflag:s9] =	ssyncset.done $0x0  }
0x20: {  	s2 =	simm.s32 $0xC000;
	s1 =	rddreg [dreg:$0x7];
	[sflag:s9] =	ssyncadd.s32 $0xFFFF4000  }
0x21: {  	[tilespmem:s2], [sflag:$0x2] =	stream.linear.gather [hbm4b:s1+s3], $0x2000, $0x38;
	[tilespmem:$0x10100] =	vst v63  }
0x22: {  	_ =	swait.ge [sflag:s9], $0x2000  }
0x23: {  	[sflag:s9] =	ssyncset.done $0x0  }
0x24: {  	s1 =	rddreg [dreg:$0x8];
	[sflag:s9] =	ssyncadd.s32 $0xFFFFE000  }
0x25: {  	[tilespmem:s17], [sflag:$0x2] =	stream.linear.gather [hbm4b:s1+s3], $0x2000, $0x38;
	[tilespmem:$0x10100] =	vst v63  }
0x26: {  	_ =	swait.ge [sflag:s9], $0x2000  }
0x27: {  	[sflag:s9] =	ssyncset.done $0x0  }
0x28: {  	[sflag:s9] =	ssyncadd.s32 $0xFFFFE000  }
0x29: {  	v3 =	vld [tilespmem:$0x10000];
	_ =	sdelay $0x4  }
0x2a: {  	v4 =	vshrl.u32 v3, $0x3  }
0x2b: {  	v4 =	vmul.u32 $0x30, v4  }
0x2c: {  	v3 =	vand.u32 $0x7, v3  }
0x2d: {  	v3 =	vor.u32 v3, v4  }
0x2e: {  	v4 =	vperm.xlane v3, v0;
	_ =	sdelay $0x1  }
0x2f: {  	v4 =	vadd.s32 v1, v4;
	_ =	sdelay $0x3  }
0x30: {  	v3 =	vperm.xlane v3, v2  }
0x31: {  	[hbm4b:s4+s3] =	stream.indirect_vreg.scatter [tilespmem:s3], [sflag:$0x1], $0x80, v4, vm0, $0xb8;
	[tilespmem:$0x10100] =	vst v63  }
0x32: {  	s13 =	simm.s32 $0x800;
	v3 =	vadd.s32 v1, v3  }
0x33: {  	[hbm4b:s5+s3] =	stream.indirect_vreg.scatter [tilespmem:s13], [sflag:$0x1], $0x80, v4, vm0, $0xb8;
	[tilespmem:$0x10100] =	vst v63  }
0x34: {  	_ = 	snop  }
0x35: {  	[hbm4b:s6+s3] =	stream.indirect_vreg.scatter [tilespmem:s18], [sflag:$0x1], $0x80, v4, vm0, $0xb8;
	[tilespmem:$0x10100] =	vst v63  }
0x36: {  	_ = 	snop  }
0x37: {  	[hbm4b:s4+s3] =	stream.indirect_vreg.scatter [tilespmem:s19], [sflag:$0x1], $0x80, v3, vm0, $0xb8;
	[tilespmem:$0x10100] =	vst v63  }
0x38: {  	_ = 	snop  }
0x39: {  	[hbm4b:s5+s3] =	stream.indirect_vreg.scatter [tilespmem:s20], [sflag:$0x1], $0x80, v3, vm0, $0xb8;
	[tilespmem:$0x10100] =	vst v63  }
0x3a: {  	_ = 	snop  }
0x3b: {  	[hbm4b:s6+s3] =	stream.indirect_vreg.scatter [tilespmem:s21], [sflag:$0x1], $0x80, v3, vm0, $0xb8;
	[tilespmem:$0x10100] =	vst v63  }
0x3c: {  	v3 =	vld [tilespmem:$0x10010];
	_ =	sdelay $0x4  }
0x3d: {  	v57 =	vshrl.u32 v3, $0x3  }
0x3e: {  	v4 =	vmul.u32 $0x30, v57  }
0x3f: {  	v3 =	vand.u32 $0x7, v3  }
0x40: {  	v3 =	vor.u32 v3, v4  }
0x41: {  	v4 =	vperm.xlane v3, v0;
	_ =	sdelay $0x1  }
0x42: {  	v4 =	vadd.s32 v1, v4;
	_ =	sdelay $0x3  }
0x43: {  	v3 =	vperm.xlane v3, v2  }
0x44: {  	[hbm4b:s4+s3] =	stream.indirect_vreg.scatter [tilespmem:s22], [sflag:$0x1], $0x80, v4, vm0, $0xb8;
	[tilespmem:$0x10100] =	vst v63  }
0x45: {  	v3 =	vadd.s32 v1, v3  }
0x46: {  	[hbm4b:s5+s3] =	stream.indirect_vreg.scatter [tilespmem:s23], [sflag:$0x1], $0x80, v4, vm0, $0xb8;
	[tilespmem:$0x10100] =	vst v63  }
0x47: {  	_ = 	snop  }
0x48: {  	[hbm4b:s6+s3] =	stream.indirect_vreg.scatter [tilespmem:s24], [sflag:$0x1], $0x80, v4, vm0, $0xb8;
	[tilespmem:$0x10100] =	vst v63  }
0x49: {  	_ = 	snop  }
0x4a: {  	[hbm4b:s4+s3] =	stream.indirect_vreg.scatter [tilespmem:s25], [sflag:$0x1], $0x80, v3, vm0, $0xb8;
	[tilespmem:$0x10100] =	vst v63  }
0x4b: {  	_ = 	snop  }
0x4c: {  	[hbm4b:s5+s3] =	stream.indirect_vreg.scatter [tilespmem:s26], [sflag:$0x1], $0x80, v3, vm0, $0xb8;
	[tilespmem:$0x10100] =	vst v63  }
0x4d: {  	_ = 	snop  }
0x4e: {  	[hbm4b:s6+s3] =	stream.indirect_vreg.scatter [tilespmem:s28], [sflag:$0x1], $0x80, v3, vm0, $0xb8;
	[tilespmem:$0x10100] =	vst v63  }
0x4f: {  	v3 =	vld [tilespmem:$0x10020];
	_ =	sdelay $0x4  }
0x50: {  	v58 =	vshrl.u32 v3, $0x3  }
0x51: {  	v4 =	vmul.u32 $0x30, v58  }
0x52: {  	v3 =	vand.u32 $0x7, v3  }
0x53: {  	v3 =	vor.u32 v3, v4  }
0x54: {  	v4 =	vperm.xlane v3, v0;
	_ =	sdelay $0x1  }
0x55: {  	v4 =	vadd.s32 v1, v4;
	_ =	sdelay $0x3  }
0x56: {  	v3 =	vperm.xlane v3, v2  }
0x57: {  	[hbm4b:s4+s3] =	stream.indirect_vreg.scatter [tilespmem:s29], [sflag:$0x1], $0x80, v4, vm0, $0xb8;
	[tilespmem:$0x10100] =	vst v63  }
0x58: {  	v3 =	vadd.s32 v1, v3  }
0x59: {  	[hbm4b:s5+s3] =	stream.indirect_vreg.scatter [tilespmem:s30], [sflag:$0x1], $0x80, v4, vm0, $0xb8;
	[tilespmem:$0x10100] =	vst v63  }
0x5a: {  	_ = 	snop  }
0x5b: {  	[hbm4b:s6+s3] =	stream.indirect_vreg.scatter [tilespmem:s31], [sflag:$0x1], $0x80, v4, vm0, $0xb8;
	[tilespmem:$0x10100] =	vst v63  }
0x5c: {  	s1 =	simm.s32 $0x7800  }
0x5d: {  	[hbm4b:s4+s3] =	stream.indirect_vreg.scatter [tilespmem:s1], [sflag:$0x1], $0x80, v3, vm0, $0xb8;
	[tilespmem:$0x10100] =	vst v63  }
0x5e: {  	s0 =	simm.s32 $0x8000  }
0x5f: {  	[hbm4b:s5+s3] =	stream.indirect_vreg.scatter [tilespmem:s0], [sflag:$0x1], $0x80, v3, vm0, $0xb8;
	[tilespmem:$0x10100] =	vst v63  }
0x60: {  	s2 =	simm.s32 $0x8800  }
0x61: {  	[hbm4b:s6+s3] =	stream.indirect_vreg.scatter [tilespmem:s2], [sflag:$0x1], $0x80, v3, vm0, $0xb8;
	[tilespmem:$0x10100] =	vst v63  }
0x62: {  	v3 =	vld [tilespmem:$0x10030];
	_ =	sdelay $0x4  }
0x63: {  	v59 =	vshrl.u32 v3, $0x3  }
0x64: {  	v4 =	vmul.u32 $0x30, v59  }
0x65: {  	v3 =	vand.u32 $0x7, v3  }
0x66: {  	v3 =	vor.u32 v3, v4  }
0x67: {  	v4 =	vperm.xlane v3, v0;
	_ =	sdelay $0x1  }
0x68: {  	v4 =	vadd.s32 v1, v4;
	_ =	sdelay $0x3  }
0x69: {  	v3 =	vperm.xlane v3, v2  }
0x6a: {  	[hbm4b:s4+s3] =	stream.indirect_vreg.scatter [tilespmem:s8], [sflag:$0x1], $0x80, v4, vm0, $0xb8;
	[tilespmem:$0x10100] =	vst v63  }
0x6b: {  	v3 =	vadd.s32 v1, v3  }
0x6c: {  	[hbm4b:s5+s3] =	stream.indirect_vreg.scatter [tilespmem:s10], [sflag:$0x1], $0x80, v4, vm0, $0xb8;
	[tilespmem:$0x10100] =	vst v63  }
0x6d: {  	_ = 	snop  }
0x6e: {  	[hbm4b:s6+s3] =	stream.indirect_vreg.scatter [tilespmem:s11], [sflag:$0x1], $0x80, v4, vm0, $0xb8;
	[tilespmem:$0x10100] =	vst v63  }
0x6f: {  	_ = 	snop  }
0x70: {  	[hbm4b:s4+s3] =	stream.indirect_vreg.scatter [tilespmem:s14], [sflag:$0x1], $0x80, v3, vm0, $0xb8;
	[tilespmem:$0x10100] =	vst v63  }
0x71: {  	_ = 	snop  }
0x72: {  	[hbm4b:s5+s3] =	stream.indirect_vreg.scatter [tilespmem:s15], [sflag:$0x1], $0x80, v3, vm0, $0xb8;
	[tilespmem:$0x10100] =	vst v63  }
0x73: {  	_ = 	snop  }
0x74: {  	[hbm4b:s6+s3] =	stream.indirect_vreg.scatter [tilespmem:s16], [sflag:$0x1], $0x80, v3, vm0, $0xb8;
	[tilespmem:$0x10100] =	vst v63  }
0x75: {  	v3 =	vld [tilespmem:$0x10080];
	_ =	sdelay $0x4  }
0x76: {  	v60 =	vshrl.u32 v3, $0x3  }
0x77: {  	v4 =	vmul.u32 $0x30, v60  }
0x78: {  	v3 =	vand.u32 $0x7, v3  }
0x79: {  	v3 =	vor.u32 v3, v4  }
0x7a: {  	v4 =	vperm.xlane v3, v0;
	_ =	sdelay $0x1  }
0x7b: {  	v4 =	vadd.s32 v1, v4;
	_ =	sdelay $0x3  }
0x7c: {  	v3 =	vperm.xlane v3, v2  }
0x7d: {  	[hbm4b:s4+s3] =	stream.indirect_vreg.scatter [tilespmem:s3], [sflag:$0x1], $0x80, v4, vm0, $0xb8;
	[tilespmem:$0x10100] =	vst v63  }
0x7e: {  	v3 =	vadd.s32 v1, v3  }
0x7f: {  	[hbm4b:s5+s3] =	stream.indirect_vreg.scatter [tilespmem:s13], [sflag:$0x1], $0x80, v4, vm0, $0xb8;
	[tilespmem:$0x10100] =	vst v63  }
0x80: {  	_ = 	snop  }
0x81: {  	[hbm4b:s6+s3] =	stream.indirect_vreg.scatter [tilespmem:s18], [sflag:$0x1], $0x80, v4, vm0, $0xb8;
	[tilespmem:$0x10100] =	vst v63  }
0x82: {  	_ = 	snop  }
0x83: {  	[hbm4b:s4+s3] =	stream.indirect_vreg.scatter [tilespmem:s19], [sflag:$0x1], $0x80, v3, vm0, $0xb8;
	[tilespmem:$0x10100] =	vst v63  }
0x84: {  	_ = 	snop  }
0x85: {  	[hbm4b:s5+s3] =	stream.indirect_vreg.scatter [tilespmem:s20], [sflag:$0x1], $0x80, v3, vm0, $0xb8;
	[tilespmem:$0x10100] =	vst v63  }
0x86: {  	_ = 	snop  }
0x87: {  	[hbm4b:s6+s3] =	stream.indirect_vreg.scatter [tilespmem:s21], [sflag:$0x1], $0x80, v3, vm0, $0xb8;
	[tilespmem:$0x10100] =	vst v63  }
0x88: {  	v3 =	vld [tilespmem:$0x10090];
	_ =	sdelay $0x4  }
0x89: {  	v61 =	vshrl.u32 v3, $0x3  }
0x8a: {  	v4 =	vmul.u32 $0x30, v61  }
0x8b: {  	v3 =	vand.u32 $0x7, v3  }
0x8c: {  	v3 =	vor.u32 v3, v4  }
0x8d: {  	v4 =	vperm.xlane v3, v0;
	_ =	sdelay $0x1  }
0x8e: {  	v4 =	vadd.s32 v1, v4;
	_ =	sdelay $0x3  }
0x8f: {  	v3 =	vperm.xlane v3, v2  }
0x90: {  	[hbm4b:s4+s3] =	stream.indirect_vreg.scatter [tilespmem:s22], [sflag:$0x1], $0x80, v4, vm0, $0xb8;
	[tilespmem:$0x10100] =	vst v63  }
0x91: {  	v3 =	vadd.s32 v1, v3  }
0x92: {  	[hbm4b:s5+s3] =	stream.indirect_vreg.scatter [tilespmem:s23], [sflag:$0x1], $0x80, v4, vm0, $0xb8;
	[tilespmem:$0x10100] =	vst v63  }
0x93: {  	_ = 	snop  }
0x94: {  	[hbm4b:s6+s3] =	stream.indirect_vreg.scatter [tilespmem:s24], [sflag:$0x1], $0x80, v4, vm0, $0xb8;
	[tilespmem:$0x10100] =	vst v63  }
0x95: {  	_ = 	snop  }
0x96: {  	[hbm4b:s4+s3] =	stream.indirect_vreg.scatter [tilespmem:s25], [sflag:$0x1], $0x80, v3, vm0, $0xb8;
	[tilespmem:$0x10100] =	vst v63  }
0x97: {  	_ = 	snop  }
0x98: {  	[hbm4b:s5+s3] =	stream.indirect_vreg.scatter [tilespmem:s26], [sflag:$0x1], $0x80, v3, vm0, $0xb8;
	[tilespmem:$0x10100] =	vst v63  }
0x99: {  	_ = 	snop  }
0x9a: {  	[hbm4b:s6+s3] =	stream.indirect_vreg.scatter [tilespmem:s28], [sflag:$0x1], $0x80, v3, vm0, $0xb8;
	[tilespmem:$0x10100] =	vst v63  }
0x9b: {  	v3 =	vld [tilespmem:$0x100A0];
	_ =	sdelay $0x4  }
0x9c: {  	v62 =	vshrl.u32 v3, $0x3  }
0x9d: {  	v4 =	vmul.u32 $0x30, v62  }
0x9e: {  	v3 =	vand.u32 $0x7, v3  }
0x9f: {  	v3 =	vor.u32 v3, v4  }
0xa0: {  	v4 =	vperm.xlane v3, v0;
	_ =	sdelay $0x1  }
0xa1: {  	v4 =	vadd.s32 v1, v4;
	_ =	sdelay $0x3  }
0xa2: {  	v3 =	vperm.xlane v3, v2  }
0xa3: {  	[hbm4b:s4+s3] =	stream.indirect_vreg.scatter [tilespmem:s29], [sflag:$0x1], $0x80, v4, vm0, $0xb8;
	[tilespmem:$0x10100] =	vst v63  }
0xa4: {  	v3 =	vadd.s32 v1, v3  }
0xa5: {  	[hbm4b:s5+s3] =	stream.indirect_vreg.scatter [tilespmem:s30], [sflag:$0x1], $0x80, v4, vm0, $0xb8;
	[tilespmem:$0x10100] =	vst v63  }
0xa6: {  	_ = 	snop  }
0xa7: {  	[hbm4b:s6+s3] =	stream.indirect_vreg.scatter [tilespmem:s31], [sflag:$0x1], $0x80, v4, vm0, $0xb8;
	[tilespmem:$0x10100] =	vst v63  }
0xa8: {  	_ = 	snop  }
0xa9: {  	[hbm4b:s4+s3] =	stream.indirect_vreg.scatter [tilespmem:s1], [sflag:$0x1], $0x80, v3, vm0, $0xb8;
	[tilespmem:$0x10100] =	vst v63  }
0xaa: {  	_ = 	snop  }
0xab: {  	[hbm4b:s5+s3] =	stream.indirect_vreg.scatter [tilespmem:s0], [sflag:$0x1], $0x80, v3, vm0, $0xb8;
	[tilespmem:$0x10100] =	vst v63  }
0xac: {  	_ = 	snop  }
0xad: {  	[hbm4b:s6+s3] =	stream.indirect_vreg.scatter [tilespmem:s2], [sflag:$0x1], $0x80, v3, vm0, $0xb8;
	[tilespmem:$0x10100] =	vst v63  }
0xae: {  	v3 =	vld [tilespmem:$0x100B0];
	_ =	sdelay $0x4  }
0xaf: {  	v63 =	vshrl.u32 v3, $0x3  }
0xb0: {  	v4 =	vmul.u32 $0x30, v63  }
0xb1: {  	v3 =	vand.u32 $0x7, v3  }
0xb2: {  	v3 =	vor.u32 v3, v4  }
0xb3: {  	v4 =	vperm.xlane v3, v0;
	_ =	sdelay $0x1  }
0xb4: {  	v4 =	vadd.s32 v1, v4;
	_ =	sdelay $0x3  }
0xb5: {  	v3 =	vperm.xlane v3, v2  }
0xb6: {  	[hbm4b:s4+s3] =	stream.indirect_vreg.scatter [tilespmem:s8], [sflag:$0x1], $0x80, v4, vm0, $0xb8;
	[tilespmem:$0x10100] =	vst v63  }
0xb7: {  	v3 =	vadd.s32 v1, v3  }
0xb8: {  	[hbm4b:s5+s3] =	stream.indirect_vreg.scatter [tilespmem:s10], [sflag:$0x1], $0x80, v4, vm0, $0xb8;
	[tilespmem:$0x10100] =	vst v63  }
0xb9: {  	_ = 	snop  }
0xba: {  	[hbm4b:s6+s3] =	stream.indirect_vreg.scatter [tilespmem:s11], [sflag:$0x1], $0x80, v4, vm0, $0xb8;
	[tilespmem:$0x10100] =	vst v63  }
0xbb: {  	_ = 	snop  }
0xbc: {  	[hbm4b:s4+s3] =	stream.indirect_vreg.scatter [tilespmem:s14], [sflag:$0x1], $0x80, v3, vm0, $0xb8;
	[tilespmem:$0x10100] =	vst v63  }
0xbd: {  	_ = 	snop  }
0xbe: {  	[hbm4b:s5+s3] =	stream.indirect_vreg.scatter [tilespmem:s15], [sflag:$0x1], $0x80, v3, vm0, $0xb8;
	[tilespmem:$0x10100] =	vst v63  }
0xbf: {  	s13 =	rddreg [dreg:$0x2]  }
0xc0: {  	[hbm4b:s6+s3] =	stream.indirect_vreg.scatter [tilespmem:s16], [sflag:$0x1], $0x80, v3, vm0, $0xb8;
	[tilespmem:$0x10100] =	vst v63  }
0xc1: {  	s1 =	simm.s32 $0x10000;
	s0 =	simm.s32 $0x40;
	s2 =	simm.s32 $0xC000  }
0xc2: {  	[hbm4b:s13+s0] =	stream.indirect.scatter [tilespmem:s2], [sflag:$0x1], $0x80, s1, s0, $0xb8;
	[tilespmem:$0x10100] =	vst v63  }
0xc3: {  	s2 =	simm.s32 $0x10080  }
0xc4: {  	[hbm4b:s13+s0] =	stream.indirect.scatter [tilespmem:s17], [sflag:$0x1], $0x80, s2, s0, $0xb8;
	[tilespmem:$0x10100] =	vst v63  }
0xc5: {  	_ =	swait.ge [sflag:s12], $0xC000  }
0xc6: {  	[sflag:s12] =	ssyncset.done $0x0  }
0xc7: {  	[sflag:s12] =	ssyncadd.s32 $0xFFFF4000  }
0xc8: {  	_ =	swait.ge [sflag:s12], $0xC000  }
0xc9: {  	[sflag:s12] =	ssyncset.done $0x0  }
0xca: {  	[sflag:s12] =	ssyncadd.s32 $0xFFFF4000  }
0xcb: {  	p0 =	sne.s32 s7, $0x1;
	_ =	swait.ge [sflag:s12], $0x2000  }
.Ltmp0:
0xcc: {  	[sflag:s12] =	ssyncset.done $0x0;
	(pc) =	sbr.rel @p0 .LBB2_1-.Ltmp0, $4  }
0xcd: {  	[sflag:s12] =	ssyncadd.s32 $0xFFFFE000  }
0xce: {  	_ =	swait.ge [sflag:s12], $0x2000  }
0xcf: {  	[sflag:s12] =	ssyncset.done $0x0  }
0xd0: {  	s7 =	sadd.s32 $0xFFFFFFFF, s7;
	[sflag:s12] =	ssyncadd.s32 $0xFFFFE000  }
0xd1: {  	_ =	sfence.sel $0x180000  }
0xd2: {  	[bflag:$0x0] =	sbarrier.arrive $0xFFFF  }
0xd3: {  	_ =	strace $0x90000047  }
0xd4: {  	s0 =	stileid.u32;
	[bflag:$0x2] =	sbarrier.arrive $0xFFFF  }
0xd5: {  	p0 =	sne.s32 s0, $0x0;
	s0 =	rddreg [dreg:$0x3]  }
0xd6: {  	s0 =	sadd.s32 @!p0 $0x100000, s0  }
0xd7: {  	[sflag:s0] =	ssyncadd.tile.s32 @!p0 $0x1;
	_ =	shalt  }
.Lfunc_end2:
_tile_overlayer_lowered:
.L_overlay_start_2:
0xd8: {  	(tag) =	ssettag $0x2  }
0xd9: {  	s0 =	rddreg [dreg:$0x0];
	s2 =	stileid.u32  }
0xda: {  	s1 =	rddreg [dreg:$0x1];
	p0 =	sne.s32 s2, $0x0  }
0xdb: {  	s3 =	rddreg [dreg:$0x2];
	[bflag:$0x3] =	sbarrier.arrive $0xFFFF;
	s2 =	simm.s32 @!p0 $0x1C02  }
0xdc: {  	[timem:s3], [sflag:s2] =	dma.local @!p0 [hbm:s0], s1  }
0xdd: {  	s0 =	simm.s32 @!p0 $0x2  }
0xde: {  	_ =	swait.ge @!p0 [sflag:s0], s1  }
0xdf: {  	s1 =	ssub.s32 @!p0 $0x0, s1;
	[sflag:s0] =	ssyncset.done @!p0 $0x0  }
0xe0: {  	[sflag:s0] =	ssyncadd.s32 @!p0 s1  }
0xe1: {  	[bflag:$0x3] =	sbarrier.arrive $0xFFFF  }
0xe2: {  	_ =	shalt  }

</sc_bundles>
